<compile_context>
chip_gen: v7x
topology: tpu7x:2x2x1
jax: 0.10.2.dev20260603
libtpu: 0.0.44.dev20260713+nightly
codegen_flags: <defaults>
</compile_context>

<pallas_src>
import jax
import jax.numpy as jnp
from jax.experimental import pallas as pl
from jax.experimental.pallas import tpu as pltpu

BC = 8


def _leaky(v):
    return jnp.where(v >= 0, v, 0.2 * v)


def _mm(a, b):
    return jax.lax.dot_general(a.astype(jnp.bfloat16), b.astype(jnp.bfloat16),
                               (((1,), (0,)), ((), ())),
                               preferred_element_type=jnp.float32)


def _mmf(a, b):
    return jax.lax.dot_general(a, b, (((1,), (0,)), ((), ())),
                               preferred_element_type=jnp.float32)


def _mega_body(x0, x1, x2, x3, W1s, b1, W2s, b2, Wfi, bfi, Wfo, bfo,
               Es, ETs, e2s, Wd1s, bd1, Wd2s, bd2,
               y_ref, loss_ref, cnt_ref):
    bc = x0.shape[0]
    t1h = 128
    rows = bc * t1h

    a0 = x0[...]
    a1 = x1[...]
    a2 = x2[...]
    a3 = x3[...]
    cin = a0.shape[2]

    def win(a, s):
        return a[:, s:s + t1h, :].reshape(rows, cin)

    W10, W11, W12, W13 = W1s[0], W1s[1], W1s[2], W1s[3]
    he = _mm(win(a0, 0), W10) + _mm(win(a1, 0), W11) \
        + _mm(win(a2, 0), W12) + _mm(win(a3, 0), W13)
    ho = _mm(win(a2, 0), W10) + _mm(win(a3, 0), W11) \
        + _mm(win(a0, 1), W12) + _mm(win(a1, 1), W13)
    he = _leaky(he + b1[...])
    ho = _leaky(ho + b1[...])

    H = he.shape[1]
    he3 = he.reshape(bc, t1h, H)
    ho3 = ho.reshape(bc, t1h, H)
    zrow = jnp.zeros((bc, 1, H), jnp.float32)

    ho_pad = jnp.concatenate([zrow, ho3], axis=1)
    he_pad = jnp.concatenate([he3, zrow], axis=1)
    V0, V1, V2, V3 = W2s[0], W2s[1], W2s[2], W2s[3]
    h = _mm(ho_pad[:, 0:t1h].reshape(rows, H), V0) \
        + _mm(he, V1) + _mm(ho, V2) \
        + _mm(he_pad[:, 1:t1h + 1].reshape(rows, H), V3)
    h = _leaky(h + b2[...])

    zt = _mm(h, Wfi[...]) + bfi[...]
    zh = jnp.round(zt)
    z_fsq = _mm(zh, Wfo[...]) + bfo[...]

    r = h - z_fsq
    loss_acc = jnp.float32(0.0)
    ncode = Es.shape[1]
    code_iota = jax.lax.broadcasted_iota(jnp.int32, (rows, ncode), 1)
    ones_row = jnp.ones((1, rows), jnp.float32)
    for l in range(4):
        El = Es[l]
        ElT = ETs[l]
        e2 = e2s[l]
        G = _mm(r, ElT)
        rn = jnp.sum(r * r, axis=1)
        score = (rn[:, None] + e2) - 2.0 * G
        m = jnp.min(score, axis=1)
        idx = jnp.min(jnp.where(score == m[:, None], code_iota, ncode),
                      axis=1)
        mask = (code_iota == idx[:, None]).astype(jnp.float32)
        q = _mmf(mask, El)
        loss_acc = loss_acc + jnp.sum(m)
        cnt_ref[:, l, :] = jnp.sum(mask, axis=0, keepdims=True)
        r = r - q

    loss_ref[...] = jnp.broadcast_to(loss_acc.reshape(1, 1), loss_ref.shape)

    z3 = (h - r).reshape(bc, t1h, H)
    zs = jnp.concatenate([zrow, z3, zrow], axis=1)
    D0, D1, D2, D3 = Wd1s[0], Wd1s[1], Wd1s[2], Wd1s[3]
    y1e = _leaky(_mm(zs[:, 1:t1h + 1].reshape(rows, H), D1)
                 + _mm(zs[:, 0:t1h].reshape(rows, H), D3) + bd1[...])
    y1o = _leaky(_mm(zs[:, 2:t1h + 2].reshape(rows, H), D0)
                 + _mm(zs[:, 1:t1h + 1].reshape(rows, H), D2) + bd1[...])

    U0, U1, U2, U3 = Wd2s[0], Wd2s[1], Wd2s[2], Wd2s[3]
    y1e3 = y1e.reshape(bc, t1h, H)
    y1o3 = y1o.reshape(bc, t1h, H)
    y1e_s = jnp.concatenate([y1e3, zrow], axis=1)
    y1o_s = jnp.concatenate([zrow, y1o3], axis=1)
    cout = U0.shape[1]
    bd2v = bd2[...]
    p0 = _mm(y1e, U1) + _mm(y1o_s[:, 0:t1h].reshape(rows, H), U3) + bd2v
    p1 = _mm(y1o, U0) + _mm(y1e, U2) + bd2v
    p2 = _mm(y1o, U1) + _mm(y1e, U3) + bd2v
    p3 = _mm(y1e_s[:, 1:t1h + 1].reshape(rows, H), U0) + _mm(y1o, U2) + bd2v
    y_ref[:, 0, :, :] = p0.reshape(bc, t1h, cout)
    y_ref[:, 1, :, :] = p1.reshape(bc, t1h, cout)
    y_ref[:, 2, :, :] = p2.reshape(bc, t1h, cout)
    y_ref[:, 3, :, :] = p3.reshape(bc, t1h, cout)


def _reduce_body(loss_part, cnt_part, loss_ref, ppl_ref, nrows):
    total = jnp.sum(loss_part[:, :, 0:1])
    hdim = 512.0
    loss_ref[...] = (0.25 * total / (nrows * hdim)).reshape(1, 1)
    counts = jnp.sum(cnt_part[...], axis=0)
    avg = counts * (1.0 / nrows)
    ent = -jnp.sum(avg * jnp.log(avg + 1e-10), axis=1)
    ppl_ref[...] = jnp.mean(jnp.exp(ent)).reshape(1, 1)


def kernel(x, We1, be1, We2, be2, Wfi, bfi, Wfo, bfo,
           E1, E2, E3, E4, Wd1, bd1, Wd2, bd2, interpret=False):
    B, C, T = x.shape
    H = We1.shape[0]
    NE = E1.shape[0]
    F = Wfi.shape[0]
    nch = B // BC
    t2 = T // 4
    nrows = B * t2
    cpad = ((C + 7) // 8) * 8
    FP = 128

    xt = jnp.transpose(x, (0, 2, 1))
    xt = jnp.pad(xt, ((0, 0), (1, 7), (0, cpad - C)))
    xq = xt.reshape(B, (T + 8) // 4, 4, cpad).astype(jnp.bfloat16)
    x0, x1, x2, x3 = (xq[:, :, k, :] for k in range(4))

    bf = jnp.bfloat16
    W1s = jnp.pad(jnp.transpose(We1, (2, 1, 0)),
                  ((0, 0), (0, cpad - C), (0, 0))).astype(bf)
    W2s = jnp.transpose(We2, (2, 1, 0)).astype(bf)
    WfiP = jnp.pad(jnp.transpose(Wfi), ((0, 0), (0, FP - F))).astype(bf)
    bfiP = jnp.pad(bfi, (0, FP - F)).reshape(1, FP)
    WfoP = jnp.pad(jnp.transpose(Wfo), ((0, FP - F), (0, 0))).astype(bf)
    Es = jnp.stack([E1, E2, E3, E4])
    ETs = jnp.transpose(Es, (0, 2, 1)).astype(bf)
    e2s = jnp.sum(Es ** 2, axis=2)[:, None, :]
    Wd1s = jnp.transpose(Wd1, (2, 0, 1)).astype(bf)
    Wd2s = jnp.pad(jnp.transpose(Wd2, (2, 0, 1)),
                   ((0, 0), (0, 0), (0, cpad - C))).astype(bf)

    b1 = be1.reshape(1, H)
    b2 = be2.reshape(1, H)
    bd1r = bd1.reshape(1, H)
    bd2r = jnp.pad(bd2, (0, cpad - C)).reshape(1, cpad)
    bfor = bfo.reshape(1, H)

    t1h = t2
    bspec = lambda shape, imap: pl.BlockSpec(shape, imap)

    in_specs = [
        bspec((BC, t1h + 2, cpad), lambda i: (i, 0, 0)),
        bspec((BC, t1h + 2, cpad), lambda i: (i, 0, 0)),
        bspec((BC, t1h + 2, cpad), lambda i: (i, 0, 0)),
        bspec((BC, t1h + 2, cpad), lambda i: (i, 0, 0)),
        bspec((4, cpad, H), lambda i: (0, 0, 0)),
        bspec((1, H), lambda i: (0, 0)),
        bspec((4, H, H), lambda i: (0, 0, 0)),
        bspec((1, H), lambda i: (0, 0)),
        bspec((H, FP), lambda i: (0, 0)),
        bspec((1, FP), lambda i: (0, 0)),
        bspec((FP, H), lambda i: (0, 0)),
        bspec((1, H), lambda i: (0, 0)),
        bspec((4, NE, H), lambda i: (0, 0, 0)),
        bspec((4, H, NE), lambda i: (0, 0, 0)),
        bspec((4, 1, NE), lambda i: (0, 0, 0)),
        bspec((4, H, H), lambda i: (0, 0, 0)),
        bspec((1, H), lambda i: (0, 0)),
        bspec((4, H, cpad), lambda i: (0, 0, 0)),
        bspec((1, cpad), lambda i: (0, 0)),
    ]
    out_specs = [
        bspec((BC, 4, t1h, cpad), lambda i: (i, 0, 0, 0)),
        bspec((1, 1, 128), lambda i: (i, 0, 0)),
        bspec((1, 4, NE), lambda i: (i, 0, 0)),
    ]
    out_shapes = [
        jax.ShapeDtypeStruct((B, 4, t1h, cpad), jnp.float32),
        jax.ShapeDtypeStruct((nch, 1, 128), jnp.float32),
        jax.ShapeDtypeStruct((nch, 4, NE), jnp.float32),
    ]

    yp, loss_part, cnt_part = pl.pallas_call(
        _mega_body,
        grid=(nch,),
        in_specs=in_specs,
        out_specs=out_specs,
        out_shape=out_shapes,
        compiler_params=pltpu.CompilerParams(
            dimension_semantics=("parallel",)),
        interpret=interpret,
    )(x0, x1, x2, x3, W1s, b1, W2s, b2, WfiP, bfiP, WfoP, bfor,
      Es, ETs, e2s, Wd1s, bd1r, Wd2s, bd2r)

    import functools
    loss2, ppl2 = pl.pallas_call(
        functools.partial(_reduce_body, nrows=float(nrows)),
        in_specs=[bspec((nch, 1, 128), lambda: (0, 0, 0)),
                  bspec((nch, 4, NE), lambda: (0, 0, 0))],
        out_specs=[bspec((1, 1), lambda: (0, 0)),
                   bspec((1, 1), lambda: (0, 0))],
        out_shape=[jax.ShapeDtypeStruct((1, 1), jnp.float32),
                   jax.ShapeDtypeStruct((1, 1), jnp.float32)],
        interpret=interpret,
    )(loss_part, cnt_part)

    y = jnp.transpose(yp, (0, 2, 1, 3)).reshape(B, T, cpad)[:, :, :C]
    y = jnp.transpose(y, (0, 2, 1))
    return (y, loss2.reshape(()), ppl2.reshape(()))

# --- scband reference (transcript-rebuilt; emitter-appended) ---
"""Pipeline reference for scband-dual-motion-vqvae-5145370821485 (READ-ONLY COPY).

The authoritative reference and input builder live on the scoring server;
editing this copy changes nothing except your own understanding.
"""

import jax, jax.numpy as jnp
import numpy as np


def _leaky(x):
    return jnp.where(x >= 0, x, 0.2 * x)


def _conv1d(x, w, b, stride, pad):
    # x: [B, Cin, T], w: [Cout, Cin, K] (pytorch Conv1d layout)
    y = jax.lax.conv_general_dilated(x, w, (stride,), [(pad, pad)],
                                     dimension_numbers=('NCH', 'OIH', 'NCH'))
    return y + b[None, :, None]


def _convT1d(x, w, b, stride, pad):
    # x: [B, Cin, T], w: [Cin, Cout, K] (pytorch ConvTranspose1d layout)
    k = w.shape[2]
    w_t = jnp.transpose(jnp.flip(w, axis=-1), (1, 0, 2))  # [Cout, Cin, K]
    y = jax.lax.conv_general_dilated(x, w_t, (1,), [(k - 1 - pad, k - 1 - pad)],
                                     lhs_dilation=(stride,),
                                     dimension_numbers=('NCH', 'OIH', 'NCH'))
    return y + b[None, :, None]


def setup_inputs(seed: int = 0) -> dict:
    key = jax.random.key(seed)
    ks = jax.random.split(key, 20)
    B, C, T, H, F, NE = 128, 263, 512, 512, 4, 1024

    def w(k, shape, scale=0.02):
        return jax.random.normal(k, shape, dtype=jnp.float32) * scale

    return {
        'x': jax.random.normal(ks[0], (B, C, T), dtype=jnp.float32),
        # Encoder (simple): Conv1d(C->H,4,2,1), Conv1d(H->H,4,2,1)
        'We1': w(ks[1], (H, C, 4)), 'be1': jnp.zeros((H,), jnp.float32),
        'We2': w(ks[2], (H, H, 4)), 'be2': jnp.zeros((H,), jnp.float32),
        # FSQ project_in / project_out (1x1 convs)
        'Wfi': w(ks[3], (F, H)), 'bfi': jnp.zeros((F,), jnp.float32),
        'Wfo': w(ks[4], (H, F)), 'bfo': jnp.zeros((H,), jnp.float32),
        # ResidualVQ: 4 codebooks, init uniform(-1/NE, 1/NE) like nn.Embedding init in module
        'E1': jax.random.uniform(ks[5], (NE, H), jnp.float32, -1.0 / NE, 1.0 / NE),
        'E2': jax.random.uniform(ks[6], (NE, H), jnp.float32, -1.0 / NE, 1.0 / NE),
        'E3': jax.random.uniform(ks[7], (NE, H), jnp.float32, -1.0 / NE, 1.0 / NE),
        'E4': jax.random.uniform(ks[8], (NE, H), jnp.float32, -1.0 / NE, 1.0 / NE),
        # Decoder (simple): ConvTranspose1d(H->H,4,2,1), ConvTranspose1d(H->C,4,2,1)
        'Wd1': w(ks[9], (H, H, 4)), 'bd1': jnp.zeros((H,), jnp.float32),
        'Wd2': w(ks[10], (H, C, 4)), 'bd2': jnp.zeros((C,), jnp.float32),
    }


def reference(x, We1, be1, We2, be2, Wfi, bfi, Wfo, bfo, E1, E2, E3, E4, Wd1, bd1, Wd2, bd2):
    # Encoder (arch='simple')
    h = _leaky(_conv1d(x, We1, be1, 2, 1))
    h = _leaky(_conv1d(h, We2, be2, 2, 1))

    # FSQ branch: project_in -> round with STE -> project_out
    basis = jnp.array([1.0, 8.0, 40.0, 200.0], jnp.float32)  # cumprod([1]+levels[:-1])
    zp = jnp.einsum('bct,dc->bdt', h, Wfi) + bfi[None, :, None]
    zt = jnp.transpose(zp, (0, 2, 1))  # [B, T', F]
    zh = zt + jax.lax.stop_gradient(jnp.round(zt) - zt)
    z_fsq = jnp.einsum('btd,cd->bct', zh, Wfo) + bfo[None, :, None]
    fsq_indices = jnp.sum(zh * basis, axis=-1).astype(jnp.int64)

    # Residual VQ (4 layers, use_ema=True eval-mode: loss = 0.25 * commitment)
    residual = h - z_fsq
    total_loss = jnp.float32(0.0)
    qout = jnp.zeros_like(residual)
    r = residual
    ppls = []
    for E in (E1, E2, E3, E4):
        inp = jnp.transpose(r, (0, 2, 1))  # [B, T', H]
        flat = inp.reshape(-1, E.shape[1])
        d = (jnp.sum(flat ** 2, axis=1, keepdims=True)
             + jnp.sum(E ** 2, axis=1)
             - 2.0 * flat @ E.T)
        idx = jnp.argmin(d, axis=1)
        enc = jax.nn.one_hot(idx, E.shape[0], dtype=flat.dtype)
        q = (enc @ E).reshape(inp.shape)
        e_latent = jnp.mean((jax.lax.stop_gradient(q) - inp) ** 2)
        total_loss = total_loss + 0.25 * e_latent
        q = inp + jax.lax.stop_gradient(q - inp)  # straight-through
        avg = jnp.mean(enc, axis=0)
        ppls.append(jnp.exp(-jnp.sum(avg * jnp.log(avg + 1e-10))))
        q = jnp.transpose(q, (0, 2, 1))
        r = r - q
        qout = qout + q
    z_q = z_fsq + qout

    # Decoder (arch='simple')
    y = _leaky(_convT1d(z_q, Wd1, bd1, 2, 1))
    y = _convT1d(y, Wd2, bd2, 2, 1)

    perplexity = jnp.mean(jnp.stack(ppls))
    return (y, total_loss, perplexity)

if __name__ == "__main__":
    import jax
    _d = setup_inputs()
    print(jax.jit(kernel)(*tuple(_d.values())))

</pallas_src>

<mosaic_0001>
module attributes {stable_mosaic.version = 14 : i64} {
  func.func @_mega_body(%arg0: i32, %arg1: memref<8x130x264xbf16, #tpu.memory_space<vmem>>, %arg2: memref<8x130x264xbf16, #tpu.memory_space<vmem>>, %arg3: memref<8x130x264xbf16, #tpu.memory_space<vmem>>, %arg4: memref<8x130x264xbf16, #tpu.memory_space<vmem>>, %arg5: memref<4x264x512xbf16, #tpu.memory_space<vmem>>, %arg6: memref<1x512xf32, #tpu.memory_space<vmem>>, %arg7: memref<4x512x512xbf16, #tpu.memory_space<vmem>>, %arg8: memref<1x512xf32, #tpu.memory_space<vmem>>, %arg9: memref<512x128xbf16, #tpu.memory_space<vmem>>, %arg10: memref<1x128xf32, #tpu.memory_space<vmem>>, %arg11: memref<128x512xbf16, #tpu.memory_space<vmem>>, %arg12: memref<1x512xf32, #tpu.memory_space<vmem>>, %arg13: memref<4x1024x512xf32, #tpu.memory_space<vmem>>, %arg14: memref<4x512x1024xbf16, #tpu.memory_space<vmem>>, %arg15: memref<4x1x1024xf32, #tpu.memory_space<vmem>>, %arg16: memref<4x512x512xbf16, #tpu.memory_space<vmem>>, %arg17: memref<1x512xf32, #tpu.memory_space<vmem>>, %arg18: memref<4x512x264xbf16, #tpu.memory_space<vmem>>, %arg19: memref<1x264xf32, #tpu.memory_space<vmem>>, %arg20: memref<8x4x128x264xf32, #tpu.memory_space<vmem>>, %arg21: memref<1x1x128xf32, #tpu.memory_space<vmem>>, %arg22: memref<1x4x1024xf32, #tpu.memory_space<vmem>>) attributes {dimension_semantics = [#tpu.dimension_semantics<parallel>], iteration_bounds = array<i64: 16>, scalar_prefetch = 0 : i64, scratch_operands = 0 : i64, tpu.core_type = #tpu.core_type<tc>, window_params = [{transform_indices = @transform_0, window_bounds = array<i64: 8, 130, 264>}, {transform_indices = @transform_1, window_bounds = array<i64: 8, 130, 264>}, {transform_indices = @transform_2, window_bounds = array<i64: 8, 130, 264>}, {transform_indices = @transform_3, window_bounds = array<i64: 8, 130, 264>}, {pipeline_mode = #tpu.pipeline_mode<synchronous>, transform_indices = @transform_4, window_bounds = array<i64: 4, 264, 512>}, {pipeline_mode = #tpu.pipeline_mode<synchronous>, transform_indices = @transform_5, window_bounds = array<i64: 1, 512>}, {pipeline_mode = #tpu.pipeline_mode<synchronous>, transform_indices = @transform_6, window_bounds = array<i64: 4, 512, 512>}, {pipeline_mode = #tpu.pipeline_mode<synchronous>, transform_indices = @transform_7, window_bounds = array<i64: 1, 512>}, {pipeline_mode = #tpu.pipeline_mode<synchronous>, transform_indices = @transform_8, window_bounds = array<i64: 512, 128>}, {pipeline_mode = #tpu.pipeline_mode<synchronous>, transform_indices = @transform_9, window_bounds = array<i64: 1, 128>}, {pipeline_mode = #tpu.pipeline_mode<synchronous>, transform_indices = @transform_10, window_bounds = array<i64: 128, 512>}, {pipeline_mode = #tpu.pipeline_mode<synchronous>, transform_indices = @transform_11, window_bounds = array<i64: 1, 512>}, {pipeline_mode = #tpu.pipeline_mode<synchronous>, transform_indices = @transform_12, window_bounds = array<i64: 4, 1024, 512>}, {pipeline_mode = #tpu.pipeline_mode<synchronous>, transform_indices = @transform_13, window_bounds = array<i64: 4, 512, 1024>}, {pipeline_mode = #tpu.pipeline_mode<synchronous>, transform_indices = @transform_14, window_bounds = array<i64: 4, 1, 1024>}, {pipeline_mode = #tpu.pipeline_mode<synchronous>, transform_indices = @transform_15, window_bounds = array<i64: 4, 512, 512>}, {pipeline_mode = #tpu.pipeline_mode<synchronous>, transform_indices = @transform_16, window_bounds = array<i64: 1, 512>}, {pipeline_mode = #tpu.pipeline_mode<synchronous>, transform_indices = @transform_17, window_bounds = array<i64: 4, 512, 264>}, {pipeline_mode = #tpu.pipeline_mode<synchronous>, transform_indices = @transform_18, window_bounds = array<i64: 1, 264>}, {transform_indices = @transform_19, window_bounds = array<i64: 8, 4, 128, 264>}, {transform_indices = @transform_20, window_bounds = array<i64: 1, 1, 128>}, {transform_indices = @transform_21, window_bounds = array<i64: 1, 4, 1024>}]} {
    %get3A = arith.constant 0 : index
    %get3A_0 = arith.constant 0 : index
    %get3A_1 = arith.constant 0 : index
    %get3A_2 = vector.load %arg1[%get3A, %get3A_0, %get3A_1] : memref<8x130x264xbf16, #tpu.memory_space<vmem>>, vector<8x130x264xbf16>
    %get3A_3 = arith.constant 0 : index
    %get3A_4 = arith.constant 0 : index
    %get3A_5 = arith.constant 0 : index
    %get3A_6 = vector.load %arg2[%get3A_3, %get3A_4, %get3A_5] : memref<8x130x264xbf16, #tpu.memory_space<vmem>>, vector<8x130x264xbf16>
    %get3A_7 = arith.constant 0 : index
    %get3A_8 = arith.constant 0 : index
    %get3A_9 = arith.constant 0 : index
    %get3A_10 = vector.load %arg3[%get3A_7, %get3A_8, %get3A_9] : memref<8x130x264xbf16, #tpu.memory_space<vmem>>, vector<8x130x264xbf16>
    %get3A_11 = arith.constant 0 : index
    %get3A_12 = arith.constant 0 : index
    %get3A_13 = arith.constant 0 : index
    %get3A_14 = vector.load %arg4[%get3A_11, %get3A_12, %get3A_13] : memref<8x130x264xbf16, #tpu.memory_space<vmem>>, vector<8x130x264xbf16>
    %get3A_15 = arith.constant 0 : index
    %get3A_16 = arith.constant 0 : index
    %get3A_17 = arith.constant 0 : index
    %get3A_18 = vector.load %arg5[%get3A_15, %get3A_16, %get3A_17] : memref<4x264x512xbf16, #tpu.memory_space<vmem>>, vector<1x264x512xbf16>
    %get3A_19 = vector.shape_cast %get3A_18 : vector<1x264x512xbf16> to vector<264x512xbf16>
    %get3A_20 = arith.constant 1 : index
    %get3A_21 = arith.constant 0 : index
    %get3A_22 = arith.constant 0 : index
    %get3A_23 = vector.load %arg5[%get3A_20, %get3A_21, %get3A_22] : memref<4x264x512xbf16, #tpu.memory_space<vmem>>, vector<1x264x512xbf16>
    %get3A_24 = vector.shape_cast %get3A_23 : vector<1x264x512xbf16> to vector<264x512xbf16>
    %get3A_25 = arith.constant 2 : index
    %get3A_26 = arith.constant 0 : index
    %get3A_27 = arith.constant 0 : index
    %get3A_28 = vector.load %arg5[%get3A_25, %get3A_26, %get3A_27] : memref<4x264x512xbf16, #tpu.memory_space<vmem>>, vector<1x264x512xbf16>
    %get3A_29 = vector.shape_cast %get3A_28 : vector<1x264x512xbf16> to vector<264x512xbf16>
    %get3A_30 = arith.constant 3 : index
    %get3A_31 = arith.constant 0 : index
    %get3A_32 = arith.constant 0 : index
    %get3A_33 = vector.load %arg5[%get3A_30, %get3A_31, %get3A_32] : memref<4x264x512xbf16, #tpu.memory_space<vmem>>, vector<1x264x512xbf16>
    %get3A_34 = vector.shape_cast %get3A_33 : vector<1x264x512xbf16> to vector<264x512xbf16>
    %slice3A = vector.extract_strided_slice %get3A_2 {offsets = [0, 0, 0], sizes = [8, 128, 264], strides = [1, 1, 1]} : vector<8x130x264xbf16> to vector<8x128x264xbf16>
    %reshape3A = vector.shape_cast %slice3A : vector<8x128x264xbf16> to vector<1024x264xbf16>
    %dot_general3A = arith.constant dense<0.000000e+00> : vector<1024x512xf32>
    %dot_general3A_35 = tpu.matmul %reshape3A, %get3A_19, %dot_general3A {dimension_numbers = #tpu.dot_dimension_numbers<[1], [0], [0], [1], [0, 0, 1, 1], [], []>, transpose_lhs_hint = false} : vector<1024x264xbf16>, vector<264x512xbf16>, vector<1024x512xf32> -> vector<1024x512xf32>
    %slice3A_36 = vector.extract_strided_slice %get3A_6 {offsets = [0, 0, 0], sizes = [8, 128, 264], strides = [1, 1, 1]} : vector<8x130x264xbf16> to vector<8x128x264xbf16>
    %reshape3A_37 = vector.shape_cast %slice3A_36 : vector<8x128x264xbf16> to vector<1024x264xbf16>
    %dot_general3A_38 = arith.constant dense<0.000000e+00> : vector<1024x512xf32>
    %dot_general3A_39 = tpu.matmul %reshape3A_37, %get3A_24, %dot_general3A_38 {dimension_numbers = #tpu.dot_dimension_numbers<[1], [0], [0], [1], [0, 0, 1, 1], [], []>, transpose_lhs_hint = false} : vector<1024x264xbf16>, vector<264x512xbf16>, vector<1024x512xf32> -> vector<1024x512xf32>
    %add3A = arith.addf %dot_general3A_35, %dot_general3A_39 : vector<1024x512xf32>
    %slice3A_40 = vector.extract_strided_slice %get3A_10 {offsets = [0, 0, 0], sizes = [8, 128, 264], strides = [1, 1, 1]} : vector<8x130x264xbf16> to vector<8x128x264xbf16>
    %reshape3A_41 = vector.shape_cast %slice3A_40 : vector<8x128x264xbf16> to vector<1024x264xbf16>
    %dot_general3A_42 = arith.constant dense<0.000000e+00> : vector<1024x512xf32>
    %dot_general3A_43 = tpu.matmul %reshape3A_41, %get3A_29, %dot_general3A_42 {dimension_numbers = #tpu.dot_dimension_numbers<[1], [0], [0], [1], [0, 0, 1, 1], [], []>, transpose_lhs_hint = false} : vector<1024x264xbf16>, vector<264x512xbf16>, vector<1024x512xf32> -> vector<1024x512xf32>
    %add3A_44 = arith.addf %add3A, %dot_general3A_43 : vector<1024x512xf32>
    %slice3A_45 = vector.extract_strided_slice %get3A_14 {offsets = [0, 0, 0], sizes = [8, 128, 264], strides = [1, 1, 1]} : vector<8x130x264xbf16> to vector<8x128x264xbf16>
    %reshape3A_46 = vector.shape_cast %slice3A_45 : vector<8x128x264xbf16> to vector<1024x264xbf16>
    %dot_general3A_47 = arith.constant dense<0.000000e+00> : vector<1024x512xf32>
    %dot_general3A_48 = tpu.matmul %reshape3A_46, %get3A_34, %dot_general3A_47 {dimension_numbers = #tpu.dot_dimension_numbers<[1], [0], [0], [1], [0, 0, 1, 1], [], []>, transpose_lhs_hint = false} : vector<1024x264xbf16>, vector<264x512xbf16>, vector<1024x512xf32> -> vector<1024x512xf32>
    %add3A_49 = arith.addf %add3A_44, %dot_general3A_48 : vector<1024x512xf32>
    %slice3A_50 = vector.extract_strided_slice %get3A_10 {offsets = [0, 0, 0], sizes = [8, 128, 264], strides = [1, 1, 1]} : vector<8x130x264xbf16> to vector<8x128x264xbf16>
    %reshape3A_51 = vector.shape_cast %slice3A_50 : vector<8x128x264xbf16> to vector<1024x264xbf16>
    %dot_general3A_52 = arith.constant dense<0.000000e+00> : vector<1024x512xf32>
    %dot_general3A_53 = tpu.matmul %reshape3A_51, %get3A_19, %dot_general3A_52 {dimension_numbers = #tpu.dot_dimension_numbers<[1], [0], [0], [1], [0, 0, 1, 1], [], []>, transpose_lhs_hint = false} : vector<1024x264xbf16>, vector<264x512xbf16>, vector<1024x512xf32> -> vector<1024x512xf32>
    %slice3A_54 = vector.extract_strided_slice %get3A_14 {offsets = [0, 0, 0], sizes = [8, 128, 264], strides = [1, 1, 1]} : vector<8x130x264xbf16> to vector<8x128x264xbf16>
    %reshape3A_55 = vector.shape_cast %slice3A_54 : vector<8x128x264xbf16> to vector<1024x264xbf16>
    %dot_general3A_56 = arith.constant dense<0.000000e+00> : vector<1024x512xf32>
    %dot_general3A_57 = tpu.matmul %reshape3A_55, %get3A_24, %dot_general3A_56 {dimension_numbers = #tpu.dot_dimension_numbers<[1], [0], [0], [1], [0, 0, 1, 1], [], []>, transpose_lhs_hint = false} : vector<1024x264xbf16>, vector<264x512xbf16>, vector<1024x512xf32> -> vector<1024x512xf32>
    %add3A_58 = arith.addf %dot_general3A_53, %dot_general3A_57 : vector<1024x512xf32>
    %slice3A_59 = vector.extract_strided_slice %get3A_2 {offsets = [0, 1, 0], sizes = [8, 128, 264], strides = [1, 1, 1]} : vector<8x130x264xbf16> to vector<8x128x264xbf16>
    %reshape3A_60 = vector.shape_cast %slice3A_59 : vector<8x128x264xbf16> to vector<1024x264xbf16>
    %dot_general3A_61 = arith.constant dense<0.000000e+00> : vector<1024x512xf32>
    %dot_general3A_62 = tpu.matmul %reshape3A_60, %get3A_29, %dot_general3A_61 {dimension_numbers = #tpu.dot_dimension_numbers<[1], [0], [0], [1], [0, 0, 1, 1], [], []>, transpose_lhs_hint = false} : vector<1024x264xbf16>, vector<264x512xbf16>, vector<1024x512xf32> -> vector<1024x512xf32>
    %add3A_63 = arith.addf %add3A_58, %dot_general3A_62 : vector<1024x512xf32>
    %slice3A_64 = vector.extract_strided_slice %get3A_6 {offsets = [0, 1, 0], sizes = [8, 128, 264], strides = [1, 1, 1]} : vector<8x130x264xbf16> to vector<8x128x264xbf16>
    %reshape3A_65 = vector.shape_cast %slice3A_64 : vector<8x128x264xbf16> to vector<1024x264xbf16>
    %dot_general3A_66 = arith.constant dense<0.000000e+00> : vector<1024x512xf32>
    %dot_general3A_67 = tpu.matmul %reshape3A_65, %get3A_34, %dot_general3A_66 {dimension_numbers = #tpu.dot_dimension_numbers<[1], [0], [0], [1], [0, 0, 1, 1], [], []>, transpose_lhs_hint = false} : vector<1024x264xbf16>, vector<264x512xbf16>, vector<1024x512xf32> -> vector<1024x512xf32>
    %add3A_68 = arith.addf %add3A_63, %dot_general3A_67 : vector<1024x512xf32>
    %get3A_69 = arith.constant 0 : index
    %get3A_70 = arith.constant 0 : index
    %get3A_71 = vector.load %arg6[%get3A_69, %get3A_70] : memref<1x512xf32, #tpu.memory_space<vmem>>, vector<1x512xf32>
    %add3A_72 = vector.broadcast %get3A_71 : vector<1x512xf32> to vector<1024x512xf32>
    %add3A_73 = arith.addf %add3A_49, %add3A_72 : vector<1024x512xf32>
    %ge3A = arith.constant 0.000000e+00 : f32
    %ge3A_74 = vector.broadcast %ge3A : f32 to vector<1024x512xf32>
    %ge3A_75 = arith.cmpf oge, %add3A_73, %ge3A_74 : vector<1024x512xf32>
    %mul3A = arith.constant 2.000000e-01 : f32
    %mul3A_76 = vector.broadcast %mul3A : f32 to vector<1024x512xf32>
    %mul3A_77 = arith.mulf %mul3A_76, %add3A_73 : vector<1024x512xf32>
    %select_n3A = arith.select %ge3A_75, %add3A_73, %mul3A_77 : vector<1024x512xi1>, vector<1024x512xf32>
    %get3A_78 = arith.constant 0 : index
    %get3A_79 = arith.constant 0 : index
    %get3A_80 = vector.load %arg6[%get3A_78, %get3A_79] : memref<1x512xf32, #tpu.memory_space<vmem>>, vector<1x512xf32>
    %add3A_81 = vector.broadcast %get3A_80 : vector<1x512xf32> to vector<1024x512xf32>
    %add3A_82 = arith.addf %add3A_68, %add3A_81 : vector<1024x512xf32>
    %ge3A_83 = arith.constant 0.000000e+00 : f32
    %ge3A_84 = vector.broadcast %ge3A_83 : f32 to vector<1024x512xf32>
    %ge3A_85 = arith.cmpf oge, %add3A_82, %ge3A_84 : vector<1024x512xf32>
    %mul3A_86 = arith.constant 2.000000e-01 : f32
    %mul3A_87 = vector.broadcast %mul3A_86 : f32 to vector<1024x512xf32>
    %mul3A_88 = arith.mulf %mul3A_87, %add3A_82 : vector<1024x512xf32>
    %select_n3A_89 = arith.select %ge3A_85, %add3A_82, %mul3A_88 : vector<1024x512xi1>, vector<1024x512xf32>
    %reshape3A_90 = vector.shape_cast %select_n3A : vector<1024x512xf32> to vector<8x128x512xf32>
    %reshape3A_91 = vector.shape_cast %select_n3A_89 : vector<1024x512xf32> to vector<8x128x512xf32>
    %broadcast_in_dim3A = arith.constant 0.000000e+00 : f32
    %broadcast_in_dim3A_92 = vector.broadcast %broadcast_in_dim3A : f32 to vector<8x1x512xf32>
    %concatenate3A = tpu.concatenate %broadcast_in_dim3A_92, %reshape3A_91 in 1 : vector<8x1x512xf32>, vector<8x128x512xf32> -> vector<8x129x512xf32>
    %concatenate3A_93 = tpu.concatenate %reshape3A_90, %broadcast_in_dim3A_92 in 1 : vector<8x128x512xf32>, vector<8x1x512xf32> -> vector<8x129x512xf32>
    %get3A_94 = arith.constant 0 : index
    %get3A_95 = arith.constant 0 : index
    %get3A_96 = arith.constant 0 : index
    %get3A_97 = vector.load %arg7[%get3A_94, %get3A_95, %get3A_96] : memref<4x512x512xbf16, #tpu.memory_space<vmem>>, vector<1x512x512xbf16>
    %get3A_98 = vector.shape_cast %get3A_97 : vector<1x512x512xbf16> to vector<512x512xbf16>
    %get3A_99 = arith.constant 1 : index
    %get3A_100 = arith.constant 0 : index
    %get3A_101 = arith.constant 0 : index
    %get3A_102 = vector.load %arg7[%get3A_99, %get3A_100, %get3A_101] : memref<4x512x512xbf16, #tpu.memory_space<vmem>>, vector<1x512x512xbf16>
    %get3A_103 = vector.shape_cast %get3A_102 : vector<1x512x512xbf16> to vector<512x512xbf16>
    %get3A_104 = arith.constant 2 : index
    %get3A_105 = arith.constant 0 : index
    %get3A_106 = arith.constant 0 : index
    %get3A_107 = vector.load %arg7[%get3A_104, %get3A_105, %get3A_106] : memref<4x512x512xbf16, #tpu.memory_space<vmem>>, vector<1x512x512xbf16>
    %get3A_108 = vector.shape_cast %get3A_107 : vector<1x512x512xbf16> to vector<512x512xbf16>
    %get3A_109 = arith.constant 3 : index
    %get3A_110 = arith.constant 0 : index
    %get3A_111 = arith.constant 0 : index
    %get3A_112 = vector.load %arg7[%get3A_109, %get3A_110, %get3A_111] : memref<4x512x512xbf16, #tpu.memory_space<vmem>>, vector<1x512x512xbf16>
    %get3A_113 = vector.shape_cast %get3A_112 : vector<1x512x512xbf16> to vector<512x512xbf16>
    %slice3A_114 = vector.extract_strided_slice %concatenate3A {offsets = [0, 0, 0], sizes = [8, 128, 512], strides = [1, 1, 1]} : vector<8x129x512xf32> to vector<8x128x512xf32>
    %reshape3A_115 = vector.shape_cast %slice3A_114 : vector<8x128x512xf32> to vector<1024x512xf32>
    %convert_element_type3A = arith.truncf %reshape3A_115 : vector<1024x512xf32> to vector<1024x512xbf16>
    %dot_general3A_116 = arith.constant dense<0.000000e+00> : vector<1024x512xf32>
    %dot_general3A_117 = tpu.matmul %convert_element_type3A, %get3A_98, %dot_general3A_116 {dimension_numbers = #tpu.dot_dimension_numbers<[1], [0], [0], [1], [0, 0, 1, 1], [], []>, transpose_lhs_hint = false} : vector<1024x512xbf16>, vector<512x512xbf16>, vector<1024x512xf32> -> vector<1024x512xf32>
    %convert_element_type3A_118 = arith.truncf %select_n3A : vector<1024x512xf32> to vector<1024x512xbf16>
    %dot_general3A_119 = arith.constant dense<0.000000e+00> : vector<1024x512xf32>
    %dot_general3A_120 = tpu.matmul %convert_element_type3A_118, %get3A_103, %dot_general3A_119 {dimension_numbers = #tpu.dot_dimension_numbers<[1], [0], [0], [1], [0, 0, 1, 1], [], []>, transpose_lhs_hint = false} : vector<1024x512xbf16>, vector<512x512xbf16>, vector<1024x512xf32> -> vector<1024x512xf32>
    %add3A_121 = arith.addf %dot_general3A_117, %dot_general3A_120 : vector<1024x512xf32>
    %convert_element_type3A_122 = arith.truncf %select_n3A_89 : vector<1024x512xf32> to vector<1024x512xbf16>
    %dot_general3A_123 = arith.constant dense<0.000000e+00> : vector<1024x512xf32>
    %dot_general3A_124 = tpu.matmul %convert_element_type3A_122, %get3A_108, %dot_general3A_123 {dimension_numbers = #tpu.dot_dimension_numbers<[1], [0], [0], [1], [0, 0, 1, 1], [], []>, transpose_lhs_hint = false} : vector<1024x512xbf16>, vector<512x512xbf16>, vector<1024x512xf32> -> vector<1024x512xf32>
    %add3A_125 = arith.addf %add3A_121, %dot_general3A_124 : vector<1024x512xf32>
    %slice3A_126 = vector.extract_strided_slice %concatenate3A_93 {offsets = [0, 1, 0], sizes = [8, 128, 512], strides = [1, 1, 1]} : vector<8x129x512xf32> to vector<8x128x512xf32>
    %reshape3A_127 = vector.shape_cast %slice3A_126 : vector<8x128x512xf32> to vector<1024x512xf32>
    %convert_element_type3A_128 = arith.truncf %reshape3A_127 : vector<1024x512xf32> to vector<1024x512xbf16>
    %dot_general3A_129 = arith.constant dense<0.000000e+00> : vector<1024x512xf32>
    %dot_general3A_130 = tpu.matmul %convert_element_type3A_128, %get3A_113, %dot_general3A_129 {dimension_numbers = #tpu.dot_dimension_numbers<[1], [0], [0], [1], [0, 0, 1, 1], [], []>, transpose_lhs_hint = false} : vector<1024x512xbf16>, vector<512x512xbf16>, vector<1024x512xf32> -> vector<1024x512xf32>
    %add3A_131 = arith.addf %add3A_125, %dot_general3A_130 : vector<1024x512xf32>
    %get3A_132 = arith.constant 0 : index
    %get3A_133 = arith.constant 0 : index
    %get3A_134 = vector.load %arg8[%get3A_132, %get3A_133] : memref<1x512xf32, #tpu.memory_space<vmem>>, vector<1x512xf32>
    %add3A_135 = vector.broadcast %get3A_134 : vector<1x512xf32> to vector<1024x512xf32>
    %add3A_136 = arith.addf %add3A_131, %add3A_135 : vector<1024x512xf32>
    %ge3A_137 = arith.constant 0.000000e+00 : f32
    %ge3A_138 = vector.broadcast %ge3A_137 : f32 to vector<1024x512xf32>
    %ge3A_139 = arith.cmpf oge, %add3A_136, %ge3A_138 : vector<1024x512xf32>
    %mul3A_140 = arith.constant 2.000000e-01 : f32
    %mul3A_141 = vector.broadcast %mul3A_140 : f32 to vector<1024x512xf32>
    %mul3A_142 = arith.mulf %mul3A_141, %add3A_136 : vector<1024x512xf32>
    %select_n3A_143 = arith.select %ge3A_139, %add3A_136, %mul3A_142 : vector<1024x512xi1>, vector<1024x512xf32>
    %get3A_144 = arith.constant 0 : index
    %get3A_145 = arith.constant 0 : index
    %get3A_146 = vector.load %arg9[%get3A_144, %get3A_145] : memref<512x128xbf16, #tpu.memory_space<vmem>>, vector<512x128xbf16>
    %convert_element_type3A_147 = arith.truncf %select_n3A_143 : vector<1024x512xf32> to vector<1024x512xbf16>
    %dot_general3A_148 = arith.constant dense<0.000000e+00> : vector<1024x128xf32>
    %dot_general3A_149 = tpu.matmul %convert_element_type3A_147, %get3A_146, %dot_general3A_148 {dimension_numbers = #tpu.dot_dimension_numbers<[1], [0], [0], [1], [0, 0, 1, 1], [], []>, transpose_lhs_hint = false} : vector<1024x512xbf16>, vector<512x128xbf16>, vector<1024x128xf32> -> vector<1024x128xf32>
    %get3A_150 = arith.constant 0 : index
    %get3A_151 = arith.constant 0 : index
    %get3A_152 = vector.load %arg10[%get3A_150, %get3A_151] : memref<1x128xf32, #tpu.memory_space<vmem>>, vector<1x128xf32>
    %add3A_153 = vector.broadcast %get3A_152 : vector<1x128xf32> to vector<1024x128xf32>
    %add3A_154 = arith.addf %dot_general3A_149, %add3A_153 : vector<1024x128xf32>
    %round3A = math.roundeven %add3A_154 : vector<1024x128xf32>
    %get3A_155 = arith.constant 0 : index
    %get3A_156 = arith.constant 0 : index
    %get3A_157 = vector.load %arg11[%get3A_155, %get3A_156] : memref<128x512xbf16, #tpu.memory_space<vmem>>, vector<128x512xbf16>
    %convert_element_type3A_158 = arith.truncf %round3A : vector<1024x128xf32> to vector<1024x128xbf16>
    %dot_general3A_159 = arith.constant dense<0.000000e+00> : vector<1024x512xf32>
    %dot_general3A_160 = tpu.matmul %convert_element_type3A_158, %get3A_157, %dot_general3A_159 {dimension_numbers = #tpu.dot_dimension_numbers<[1], [0], [0], [1], [0, 0, 1, 1], [], []>, transpose_lhs_hint = false} : vector<1024x128xbf16>, vector<128x512xbf16>, vector<1024x512xf32> -> vector<1024x512xf32>
    %get3A_161 = arith.constant 0 : index
    %get3A_162 = arith.constant 0 : index
    %get3A_163 = vector.load %arg12[%get3A_161, %get3A_162] : memref<1x512xf32, #tpu.memory_space<vmem>>, vector<1x512xf32>
    %add3A_164 = vector.broadcast %get3A_163 : vector<1x512xf32> to vector<1024x512xf32>
    %add3A_165 = arith.addf %dot_general3A_160, %add3A_164 : vector<1024x512xf32>
    %sub3A = arith.subf %select_n3A_143, %add3A_165 : vector<1024x512xf32>
    %iota3A = tpu.iota {dimensions = array<i32: 1>} : vector<1024x1024xi32>
    %get3A_166 = arith.constant 0 : index
    %get3A_167 = arith.constant 0 : index
    %get3A_168 = arith.constant 0 : index
    %get3A_169 = vector.load %arg13[%get3A_166, %get3A_167, %get3A_168] : memref<4x1024x512xf32, #tpu.memory_space<vmem>>, vector<1x1024x512xf32>
    %get3A_170 = vector.shape_cast %get3A_169 : vector<1x1024x512xf32> to vector<1024x512xf32>
    %get3A_171 = arith.constant 0 : index
    %get3A_172 = arith.constant 0 : index
    %get3A_173 = arith.constant 0 : index
    %get3A_174 = vector.load %arg14[%get3A_171, %get3A_172, %get3A_173] : memref<4x512x1024xbf16, #tpu.memory_space<vmem>>, vector<1x512x1024xbf16>
    %get3A_175 = vector.shape_cast %get3A_174 : vector<1x512x1024xbf16> to vector<512x1024xbf16>
    %get3A_176 = arith.constant 0 : index
    %get3A_177 = arith.constant 0 : index
    %get3A_178 = arith.constant 0 : index
    %get3A_179 = vector.load %arg15[%get3A_176, %get3A_177, %get3A_178] : memref<4x1x1024xf32, #tpu.memory_space<vmem>>, vector<1x1x1024xf32>
    %get3A_180 = vector.shape_cast %get3A_179 : vector<1x1x1024xf32> to vector<1x1024xf32>
    %convert_element_type3A_181 = arith.truncf %sub3A : vector<1024x512xf32> to vector<1024x512xbf16>
    %dot_general3A_182 = arith.constant dense<0.000000e+00> : vector<1024x1024xf32>
    %dot_general3A_183 = tpu.matmul %convert_element_type3A_181, %get3A_175, %dot_general3A_182 {dimension_numbers = #tpu.dot_dimension_numbers<[1], [0], [0], [1], [0, 0, 1, 1], [], []>, transpose_lhs_hint = false} : vector<1024x512xbf16>, vector<512x1024xbf16>, vector<1024x1024xf32> -> vector<1024x1024xf32>
    %mul3A_184 = arith.mulf %sub3A, %sub3A : vector<1024x512xf32>
    %reduce_sum3A = arith.constant dense<0.000000e+00> : vector<1024xf32>
    %reduce_sum3A_185 = vector.multi_reduction <add>, %mul3A_184, %reduce_sum3A [1] : vector<1024x512xf32> to vector<1024xf32>
    %broadcast_in_dim3A_186 = vector.shape_cast %reduce_sum3A_185 : vector<1024xf32> to vector<1024x1xf32>
    %add3A_187 = vector.broadcast %broadcast_in_dim3A_186 : vector<1024x1xf32> to vector<1024x1024xf32>
    %add3A_188 = vector.broadcast %get3A_180 : vector<1x1024xf32> to vector<1024x1024xf32>
    %add3A_189 = arith.addf %add3A_187, %add3A_188 : vector<1024x1024xf32>
    %mul3A_190 = arith.constant 2.000000e+00 : f32
    %mul3A_191 = vector.broadcast %mul3A_190 : f32 to vector<1024x1024xf32>
    %mul3A_192 = arith.mulf %mul3A_191, %dot_general3A_183 : vector<1024x1024xf32>
    %sub3A_193 = arith.subf %add3A_189, %mul3A_192 : vector<1024x1024xf32>
    %reduce_min3A = arith.constant dense<0x7F800000> : vector<1024xf32>
    %reduce_min3A_194 = vector.multi_reduction <minimumf>, %sub3A_193, %reduce_min3A [1] : vector<1024x1024xf32> to vector<1024xf32>
    %broadcast_in_dim3A_195 = vector.shape_cast %reduce_min3A_194 : vector<1024xf32> to vector<1024x1xf32>
    %eq3A = vector.broadcast %broadcast_in_dim3A_195 : vector<1024x1xf32> to vector<1024x1024xf32>
    %eq3A_196 = arith.cmpf oeq, %sub3A_193, %eq3A : vector<1024x1024xf32>
    %jit3A = arith.constant 1024 : i32
    %broadcast_in_dim3A_197 = vector.broadcast %jit3A : i32 to vector<1024x1024xi32>
    %select_n3A_198 = arith.select %eq3A_196, %iota3A, %broadcast_in_dim3A_197 : vector<1024x1024xi1>, vector<1024x1024xi32>
    %reduce_min3A_199 = arith.constant dense<2147483647> : vector<1024xi32>
    %reduce_min3A_200 = vector.multi_reduction <minsi>, %select_n3A_198, %reduce_min3A_199 [1] : vector<1024x1024xi32> to vector<1024xi32>
    %broadcast_in_dim3A_201 = vector.shape_cast %reduce_min3A_200 : vector<1024xi32> to vector<1024x1xi32>
    %eq3A_202 = vector.broadcast %broadcast_in_dim3A_201 : vector<1024x1xi32> to vector<1024x1024xi32>
    %eq3A_203 = arith.cmpi eq, %iota3A, %eq3A_202 : vector<1024x1024xi32>
    %convert_element_type3A_204 = arith.extui %eq3A_203 : vector<1024x1024xi1> to vector<1024x1024xi32>
    %convert_element_type3A_205 = arith.sitofp %convert_element_type3A_204 : vector<1024x1024xi32> to vector<1024x1024xf32>
    %dot_general3A_206 = arith.constant dense<0.000000e+00> : vector<1024x512xf32>
    %dot_general3A_207 = tpu.matmul %convert_element_type3A_205, %get3A_170, %dot_general3A_206 {dimension_numbers = #tpu.dot_dimension_numbers<[1], [0], [0], [1], [0, 0, 1, 1], [], []>, transpose_lhs_hint = false} : vector<1024x1024xf32>, vector<1024x512xf32>, vector<1024x512xf32> -> vector<1024x512xf32>
    %reduce_sum3A_208 = vector.shape_cast %reduce_min3A_194 : vector<1024xf32> to vector<1x1024xf32>
    %reduce_sum3A_209 = arith.constant dense<0.000000e+00> : vector<1xf32>
    %reduce_sum3A_210 = vector.multi_reduction <add>, %reduce_sum3A_208, %reduce_sum3A_209 [1] : vector<1x1024xf32> to vector<1xf32>
    %reduce_sum3A_211 = vector.shape_cast %reduce_sum3A_210 : vector<1xf32> to vector<1x1xf32>
    %reduce_sum3A_212 = vector.extract %reduce_sum3A_211[0, 0] : f32 from vector<1x1xf32>
    %add3A_213 = arith.constant 0.000000e+00 : f32
    %add3A_214 = arith.addf %add3A_213, %reduce_sum3A_212 : f32
    %reduce_sum3A_215 = arith.constant dense<0.000000e+00> : vector<1024xf32>
    %reduce_sum3A_216 = vector.multi_reduction <add>, %convert_element_type3A_205, %reduce_sum3A_215 [0] : vector<1024x1024xf32> to vector<1024xf32>
    %broadcast_in_dim3A_217 = vector.shape_cast %reduce_sum3A_216 : vector<1024xf32> to vector<1x1024xf32>
    %swap3A = arith.constant 0 : index
    %swap3A_218 = arith.constant 0 : index
    %swap3A_219 = arith.constant 0 : index
    %swap3A_220 = vector.load %arg22[%swap3A, %swap3A_218, %swap3A_219] : memref<1x4x1024xf32, #tpu.memory_space<vmem>>, vector<1x1x1024xf32>
    %swap3A_221 = vector.shape_cast %swap3A_220 : vector<1x1x1024xf32> to vector<1x1024xf32>
    %swap3A_222 = vector.shape_cast %broadcast_in_dim3A_217 : vector<1x1024xf32> to vector<1x1x1024xf32>
    tpu.vector_store %arg22[%swap3A, %swap3A_218, %swap3A_219], %swap3A_222 {strides = array<i32>} : memref<1x4x1024xf32, #tpu.memory_space<vmem>>, vector<1x1x1024xf32>,
    %sub3A_223 = arith.subf %sub3A, %dot_general3A_207 : vector<1024x512xf32>
    %get3A_224 = arith.constant 1 : index
    %get3A_225 = arith.constant 0 : index
    %get3A_226 = arith.constant 0 : index
    %get3A_227 = vector.load %arg13[%get3A_224, %get3A_225, %get3A_226] : memref<4x1024x512xf32, #tpu.memory_space<vmem>>, vector<1x1024x512xf32>
    %get3A_228 = vector.shape_cast %get3A_227 : vector<1x1024x512xf32> to vector<1024x512xf32>
    %get3A_229 = arith.constant 1 : index
    %get3A_230 = arith.constant 0 : index
    %get3A_231 = arith.constant 0 : index
    %get3A_232 = vector.load %arg14[%get3A_229, %get3A_230, %get3A_231] : memref<4x512x1024xbf16, #tpu.memory_space<vmem>>, vector<1x512x1024xbf16>
    %get3A_233 = vector.shape_cast %get3A_232 : vector<1x512x1024xbf16> to vector<512x1024xbf16>
    %get3A_234 = arith.constant 1 : index
    %get3A_235 = arith.constant 0 : index
    %get3A_236 = arith.constant 0 : index
    %get3A_237 = vector.load %arg15[%get3A_234, %get3A_235, %get3A_236] : memref<4x1x1024xf32, #tpu.memory_space<vmem>>, vector<1x1x1024xf32>
    %get3A_238 = vector.shape_cast %get3A_237 : vector<1x1x1024xf32> to vector<1x1024xf32>
    %convert_element_type3A_239 = arith.truncf %sub3A_223 : vector<1024x512xf32> to vector<1024x512xbf16>
    %dot_general3A_240 = arith.constant dense<0.000000e+00> : vector<1024x1024xf32>
    %dot_general3A_241 = tpu.matmul %convert_element_type3A_239, %get3A_233, %dot_general3A_240 {dimension_numbers = #tpu.dot_dimension_numbers<[1], [0], [0], [1], [0, 0, 1, 1], [], []>, transpose_lhs_hint = false} : vector<1024x512xbf16>, vector<512x1024xbf16>, vector<1024x1024xf32> -> vector<1024x1024xf32>
    %mul3A_242 = arith.mulf %sub3A_223, %sub3A_223 : vector<1024x512xf32>
    %reduce_sum3A_243 = arith.constant dense<0.000000e+00> : vector<1024xf32>
    %reduce_sum3A_244 = vector.multi_reduction <add>, %mul3A_242, %reduce_sum3A_243 [1] : vector<1024x512xf32> to vector<1024xf32>
    %broadcast_in_dim3A_245 = vector.shape_cast %reduce_sum3A_244 : vector<1024xf32> to vector<1024x1xf32>
    %add3A_246 = vector.broadcast %broadcast_in_dim3A_245 : vector<1024x1xf32> to vector<1024x1024xf32>
    %add3A_247 = vector.broadcast %get3A_238 : vector<1x1024xf32> to vector<1024x1024xf32>
    %add3A_248 = arith.addf %add3A_246, %add3A_247 : vector<1024x1024xf32>
    %mul3A_249 = arith.constant 2.000000e+00 : f32
    %mul3A_250 = vector.broadcast %mul3A_249 : f32 to vector<1024x1024xf32>
    %mul3A_251 = arith.mulf %mul3A_250, %dot_general3A_241 : vector<1024x1024xf32>
    %sub3A_252 = arith.subf %add3A_248, %mul3A_251 : vector<1024x1024xf32>
    %reduce_min3A_253 = arith.constant dense<0x7F800000> : vector<1024xf32>
    %reduce_min3A_254 = vector.multi_reduction <minimumf>, %sub3A_252, %reduce_min3A_253 [1] : vector<1024x1024xf32> to vector<1024xf32>
    %broadcast_in_dim3A_255 = vector.shape_cast %reduce_min3A_254 : vector<1024xf32> to vector<1024x1xf32>
    %eq3A_256 = vector.broadcast %broadcast_in_dim3A_255 : vector<1024x1xf32> to vector<1024x1024xf32>
    %eq3A_257 = arith.cmpf oeq, %sub3A_252, %eq3A_256 : vector<1024x1024xf32>
    %jit3A_258 = arith.constant 1024 : i32
    %broadcast_in_dim3A_259 = vector.broadcast %jit3A_258 : i32 to vector<1024x1024xi32>
    %select_n3A_260 = arith.select %eq3A_257, %iota3A, %broadcast_in_dim3A_259 : vector<1024x1024xi1>, vector<1024x1024xi32>
    %reduce_min3A_261 = arith.constant dense<2147483647> : vector<1024xi32>
    %reduce_min3A_262 = vector.multi_reduction <minsi>, %select_n3A_260, %reduce_min3A_261 [1] : vector<1024x1024xi32> to vector<1024xi32>
    %broadcast_in_dim3A_263 = vector.shape_cast %reduce_min3A_262 : vector<1024xi32> to vector<1024x1xi32>
    %eq3A_264 = vector.broadcast %broadcast_in_dim3A_263 : vector<1024x1xi32> to vector<1024x1024xi32>
    %eq3A_265 = arith.cmpi eq, %iota3A, %eq3A_264 : vector<1024x1024xi32>
    %convert_element_type3A_266 = arith.extui %eq3A_265 : vector<1024x1024xi1> to vector<1024x1024xi32>
    %convert_element_type3A_267 = arith.sitofp %convert_element_type3A_266 : vector<1024x1024xi32> to vector<1024x1024xf32>
    %dot_general3A_268 = arith.constant dense<0.000000e+00> : vector<1024x512xf32>
    %dot_general3A_269 = tpu.matmul %convert_element_type3A_267, %get3A_228, %dot_general3A_268 {dimension_numbers = #tpu.dot_dimension_numbers<[1], [0], [0], [1], [0, 0, 1, 1], [], []>, transpose_lhs_hint = false} : vector<1024x1024xf32>, vector<1024x512xf32>, vector<1024x512xf32> -> vector<1024x512xf32>
    %reduce_sum3A_270 = vector.shape_cast %reduce_min3A_254 : vector<1024xf32> to vector<1x1024xf32>
    %reduce_sum3A_271 = arith.constant dense<0.000000e+00> : vector<1xf32>
    %reduce_sum3A_272 = vector.multi_reduction <add>, %reduce_sum3A_270, %reduce_sum3A_271 [1] : vector<1x1024xf32> to vector<1xf32>
    %reduce_sum3A_273 = vector.shape_cast %reduce_sum3A_272 : vector<1xf32> to vector<1x1xf32>
    %reduce_sum3A_274 = vector.extract %reduce_sum3A_273[0, 0] : f32 from vector<1x1xf32>
    %add3A_275 = arith.addf %add3A_214, %reduce_sum3A_274 : f32
    %reduce_sum3A_276 = arith.constant dense<0.000000e+00> : vector<1024xf32>
    %reduce_sum3A_277 = vector.multi_reduction <add>, %convert_element_type3A_267, %reduce_sum3A_276 [0] : vector<1024x1024xf32> to vector<1024xf32>
    %broadcast_in_dim3A_278 = vector.shape_cast %reduce_sum3A_277 : vector<1024xf32> to vector<1x1024xf32>
    %swap3A_279 = arith.constant 0 : index
    %swap3A_280 = arith.constant 1 : index
    %swap3A_281 = arith.constant 0 : index
    %swap3A_282 = vector.load %arg22[%swap3A_279, %swap3A_280, %swap3A_281] : memref<1x4x1024xf32, #tpu.memory_space<vmem>>, vector<1x1x1024xf32>
    %swap3A_283 = vector.shape_cast %swap3A_282 : vector<1x1x1024xf32> to vector<1x1024xf32>
    %swap3A_284 = vector.shape_cast %broadcast_in_dim3A_278 : vector<1x1024xf32> to vector<1x1x1024xf32>
    tpu.vector_store %arg22[%swap3A_279, %swap3A_280, %swap3A_281], %swap3A_284 {strides = array<i32>} : memref<1x4x1024xf32, #tpu.memory_space<vmem>>, vector<1x1x1024xf32>,
    %sub3A_285 = arith.subf %sub3A_223, %dot_general3A_269 : vector<1024x512xf32>
    %get3A_286 = arith.constant 2 : index
    %get3A_287 = arith.constant 0 : index
    %get3A_288 = arith.constant 0 : index
    %get3A_289 = vector.load %arg13[%get3A_286, %get3A_287, %get3A_288] : memref<4x1024x512xf32, #tpu.memory_space<vmem>>, vector<1x1024x512xf32>
    %get3A_290 = vector.shape_cast %get3A_289 : vector<1x1024x512xf32> to vector<1024x512xf32>
    %get3A_291 = arith.constant 2 : index
    %get3A_292 = arith.constant 0 : index
    %get3A_293 = arith.constant 0 : index
    %get3A_294 = vector.load %arg14[%get3A_291, %get3A_292, %get3A_293] : memref<4x512x1024xbf16, #tpu.memory_space<vmem>>, vector<1x512x1024xbf16>
    %get3A_295 = vector.shape_cast %get3A_294 : vector<1x512x1024xbf16> to vector<512x1024xbf16>
    %get3A_296 = arith.constant 2 : index
    %get3A_297 = arith.constant 0 : index
    %get3A_298 = arith.constant 0 : index
    %get3A_299 = vector.load %arg15[%get3A_296, %get3A_297, %get3A_298] : memref<4x1x1024xf32, #tpu.memory_space<vmem>>, vector<1x1x1024xf32>
    %get3A_300 = vector.shape_cast %get3A_299 : vector<1x1x1024xf32> to vector<1x1024xf32>
    %convert_element_type3A_301 = arith.truncf %sub3A_285 : vector<1024x512xf32> to vector<1024x512xbf16>
    %dot_general3A_302 = arith.constant dense<0.000000e+00> : vector<1024x1024xf32>
    %dot_general3A_303 = tpu.matmul %convert_element_type3A_301, %get3A_295, %dot_general3A_302 {dimension_numbers = #tpu.dot_dimension_numbers<[1], [0], [0], [1], [0, 0, 1, 1], [], []>, transpose_lhs_hint = false} : vector<1024x512xbf16>, vector<512x1024xbf16>, vector<1024x1024xf32> -> vector<1024x1024xf32>
    %mul3A_304 = arith.mulf %sub3A_285, %sub3A_285 : vector<1024x512xf32>
    %reduce_sum3A_305 = arith.constant dense<0.000000e+00> : vector<1024xf32>
    %reduce_sum3A_306 = vector.multi_reduction <add>, %mul3A_304, %reduce_sum3A_305 [1] : vector<1024x512xf32> to vector<1024xf32>
    %broadcast_in_dim3A_307 = vector.shape_cast %reduce_sum3A_306 : vector<1024xf32> to vector<1024x1xf32>
    %add3A_308 = vector.broadcast %broadcast_in_dim3A_307 : vector<1024x1xf32> to vector<1024x1024xf32>
    %add3A_309 = vector.broadcast %get3A_300 : vector<1x1024xf32> to vector<1024x1024xf32>
    %add3A_310 = arith.addf %add3A_308, %add3A_309 : vector<1024x1024xf32>
    %mul3A_311 = arith.constant 2.000000e+00 : f32
    %mul3A_312 = vector.broadcast %mul3A_311 : f32 to vector<1024x1024xf32>
    %mul3A_313 = arith.mulf %mul3A_312, %dot_general3A_303 : vector<1024x1024xf32>
    %sub3A_314 = arith.subf %add3A_310, %mul3A_313 : vector<1024x1024xf32>
    %reduce_min3A_315 = arith.constant dense<0x7F800000> : vector<1024xf32>
    %reduce_min3A_316 = vector.multi_reduction <minimumf>, %sub3A_314, %reduce_min3A_315 [1] : vector<1024x1024xf32> to vector<1024xf32>
    %broadcast_in_dim3A_317 = vector.shape_cast %reduce_min3A_316 : vector<1024xf32> to vector<1024x1xf32>
    %eq3A_318 = vector.broadcast %broadcast_in_dim3A_317 : vector<1024x1xf32> to vector<1024x1024xf32>
    %eq3A_319 = arith.cmpf oeq, %sub3A_314, %eq3A_318 : vector<1024x1024xf32>
    %jit3A_320 = arith.constant 1024 : i32
    %broadcast_in_dim3A_321 = vector.broadcast %jit3A_320 : i32 to vector<1024x1024xi32>
    %select_n3A_322 = arith.select %eq3A_319, %iota3A, %broadcast_in_dim3A_321 : vector<1024x1024xi1>, vector<1024x1024xi32>
    %reduce_min3A_323 = arith.constant dense<2147483647> : vector<1024xi32>
    %reduce_min3A_324 = vector.multi_reduction <minsi>, %select_n3A_322, %reduce_min3A_323 [1] : vector<1024x1024xi32> to vector<1024xi32>
    %broadcast_in_dim3A_325 = vector.shape_cast %reduce_min3A_324 : vector<1024xi32> to vector<1024x1xi32>
    %eq3A_326 = vector.broadcast %broadcast_in_dim3A_325 : vector<1024x1xi32> to vector<1024x1024xi32>
    %eq3A_327 = arith.cmpi eq, %iota3A, %eq3A_326 : vector<1024x1024xi32>
    %convert_element_type3A_328 = arith.extui %eq3A_327 : vector<1024x1024xi1> to vector<1024x1024xi32>
    %convert_element_type3A_329 = arith.sitofp %convert_element_type3A_328 : vector<1024x1024xi32> to vector<1024x1024xf32>
    %dot_general3A_330 = arith.constant dense<0.000000e+00> : vector<1024x512xf32>
    %dot_general3A_331 = tpu.matmul %convert_element_type3A_329, %get3A_290, %dot_general3A_330 {dimension_numbers = #tpu.dot_dimension_numbers<[1], [0], [0], [1], [0, 0, 1, 1], [], []>, transpose_lhs_hint = false} : vector<1024x1024xf32>, vector<1024x512xf32>, vector<1024x512xf32> -> vector<1024x512xf32>
    %reduce_sum3A_332 = vector.shape_cast %reduce_min3A_316 : vector<1024xf32> to vector<1x1024xf32>
    %reduce_sum3A_333 = arith.constant dense<0.000000e+00> : vector<1xf32>
    %reduce_sum3A_334 = vector.multi_reduction <add>, %reduce_sum3A_332, %reduce_sum3A_333 [1] : vector<1x1024xf32> to vector<1xf32>
    %reduce_sum3A_335 = vector.shape_cast %reduce_sum3A_334 : vector<1xf32> to vector<1x1xf32>
    %reduce_sum3A_336 = vector.extract %reduce_sum3A_335[0, 0] : f32 from vector<1x1xf32>
    %add3A_337 = arith.addf %add3A_275, %reduce_sum3A_336 : f32
    %reduce_sum3A_338 = arith.constant dense<0.000000e+00> : vector<1024xf32>
    %reduce_sum3A_339 = vector.multi_reduction <add>, %convert_element_type3A_329, %reduce_sum3A_338 [0] : vector<1024x1024xf32> to vector<1024xf32>
    %broadcast_in_dim3A_340 = vector.shape_cast %reduce_sum3A_339 : vector<1024xf32> to vector<1x1024xf32>
    %swap3A_341 = arith.constant 0 : index
    %swap3A_342 = arith.constant 2 : index
    %swap3A_343 = arith.constant 0 : index
    %swap3A_344 = vector.load %arg22[%swap3A_341, %swap3A_342, %swap3A_343] : memref<1x4x1024xf32, #tpu.memory_space<vmem>>, vector<1x1x1024xf32>
    %swap3A_345 = vector.shape_cast %swap3A_344 : vector<1x1x1024xf32> to vector<1x1024xf32>
    %swap3A_346 = vector.shape_cast %broadcast_in_dim3A_340 : vector<1x1024xf32> to vector<1x1x1024xf32>
    tpu.vector_store %arg22[%swap3A_341, %swap3A_342, %swap3A_343], %swap3A_346 {strides = array<i32>} : memref<1x4x1024xf32, #tpu.memory_space<vmem>>, vector<1x1x1024xf32>,
    %sub3A_347 = arith.subf %sub3A_285, %dot_general3A_331 : vector<1024x512xf32>
    %get3A_348 = arith.constant 3 : index
    %get3A_349 = arith.constant 0 : index
    %get3A_350 = arith.constant 0 : index
    %get3A_351 = vector.load %arg13[%get3A_348, %get3A_349, %get3A_350] : memref<4x1024x512xf32, #tpu.memory_space<vmem>>, vector<1x1024x512xf32>
    %get3A_352 = vector.shape_cast %get3A_351 : vector<1x1024x512xf32> to vector<1024x512xf32>
    %get3A_353 = arith.constant 3 : index
    %get3A_354 = arith.constant 0 : index
    %get3A_355 = arith.constant 0 : index
    %get3A_356 = vector.load %arg14[%get3A_353, %get3A_354, %get3A_355] : memref<4x512x1024xbf16, #tpu.memory_space<vmem>>, vector<1x512x1024xbf16>
    %get3A_357 = vector.shape_cast %get3A_356 : vector<1x512x1024xbf16> to vector<512x1024xbf16>
    %get3A_358 = arith.constant 3 : index
    %get3A_359 = arith.constant 0 : index
    %get3A_360 = arith.constant 0 : index
    %get3A_361 = vector.load %arg15[%get3A_358, %get3A_359, %get3A_360] : memref<4x1x1024xf32, #tpu.memory_space<vmem>>, vector<1x1x1024xf32>
    %get3A_362 = vector.shape_cast %get3A_361 : vector<1x1x1024xf32> to vector<1x1024xf32>
    %convert_element_type3A_363 = arith.truncf %sub3A_347 : vector<1024x512xf32> to vector<1024x512xbf16>
    %dot_general3A_364 = arith.constant dense<0.000000e+00> : vector<1024x1024xf32>
    %dot_general3A_365 = tpu.matmul %convert_element_type3A_363, %get3A_357, %dot_general3A_364 {dimension_numbers = #tpu.dot_dimension_numbers<[1], [0], [0], [1], [0, 0, 1, 1], [], []>, transpose_lhs_hint = false} : vector<1024x512xbf16>, vector<512x1024xbf16>, vector<1024x1024xf32> -> vector<1024x1024xf32>
    %mul3A_366 = arith.mulf %sub3A_347, %sub3A_347 : vector<1024x512xf32>
    %reduce_sum3A_367 = arith.constant dense<0.000000e+00> : vector<1024xf32>
    %reduce_sum3A_368 = vector.multi_reduction <add>, %mul3A_366, %reduce_sum3A_367 [1] : vector<1024x512xf32> to vector<1024xf32>
    %broadcast_in_dim3A_369 = vector.shape_cast %reduce_sum3A_368 : vector<1024xf32> to vector<1024x1xf32>
    %add3A_370 = vector.broadcast %broadcast_in_dim3A_369 : vector<1024x1xf32> to vector<1024x1024xf32>
    %add3A_371 = vector.broadcast %get3A_362 : vector<1x1024xf32> to vector<1024x1024xf32>
    %add3A_372 = arith.addf %add3A_370, %add3A_371 : vector<1024x1024xf32>
    %mul3A_373 = arith.constant 2.000000e+00 : f32
    %mul3A_374 = vector.broadcast %mul3A_373 : f32 to vector<1024x1024xf32>
    %mul3A_375 = arith.mulf %mul3A_374, %dot_general3A_365 : vector<1024x1024xf32>
    %sub3A_376 = arith.subf %add3A_372, %mul3A_375 : vector<1024x1024xf32>
    %reduce_min3A_377 = arith.constant dense<0x7F800000> : vector<1024xf32>
    %reduce_min3A_378 = vector.multi_reduction <minimumf>, %sub3A_376, %reduce_min3A_377 [1] : vector<1024x1024xf32> to vector<1024xf32>
    %broadcast_in_dim3A_379 = vector.shape_cast %reduce_min3A_378 : vector<1024xf32> to vector<1024x1xf32>
    %eq3A_380 = vector.broadcast %broadcast_in_dim3A_379 : vector<1024x1xf32> to vector<1024x1024xf32>
    %eq3A_381 = arith.cmpf oeq, %sub3A_376, %eq3A_380 : vector<1024x1024xf32>
    %jit3A_382 = arith.constant 1024 : i32
    %broadcast_in_dim3A_383 = vector.broadcast %jit3A_382 : i32 to vector<1024x1024xi32>
    %select_n3A_384 = arith.select %eq3A_381, %iota3A, %broadcast_in_dim3A_383 : vector<1024x1024xi1>, vector<1024x1024xi32>
    %reduce_min3A_385 = arith.constant dense<2147483647> : vector<1024xi32>
    %reduce_min3A_386 = vector.multi_reduction <minsi>, %select_n3A_384, %reduce_min3A_385 [1] : vector<1024x1024xi32> to vector<1024xi32>
    %broadcast_in_dim3A_387 = vector.shape_cast %reduce_min3A_386 : vector<1024xi32> to vector<1024x1xi32>
    %eq3A_388 = vector.broadcast %broadcast_in_dim3A_387 : vector<1024x1xi32> to vector<1024x1024xi32>
    %eq3A_389 = arith.cmpi eq, %iota3A, %eq3A_388 : vector<1024x1024xi32>
    %convert_element_type3A_390 = arith.extui %eq3A_389 : vector<1024x1024xi1> to vector<1024x1024xi32>
    %convert_element_type3A_391 = arith.sitofp %convert_element_type3A_390 : vector<1024x1024xi32> to vector<1024x1024xf32>
    %dot_general3A_392 = arith.constant dense<0.000000e+00> : vector<1024x512xf32>
    %dot_general3A_393 = tpu.matmul %convert_element_type3A_391, %get3A_352, %dot_general3A_392 {dimension_numbers = #tpu.dot_dimension_numbers<[1], [0], [0], [1], [0, 0, 1, 1], [], []>, transpose_lhs_hint = false} : vector<1024x1024xf32>, vector<1024x512xf32>, vector<1024x512xf32> -> vector<1024x512xf32>
    %reduce_sum3A_394 = vector.shape_cast %reduce_min3A_378 : vector<1024xf32> to vector<1x1024xf32>
    %reduce_sum3A_395 = arith.constant dense<0.000000e+00> : vector<1xf32>
    %reduce_sum3A_396 = vector.multi_reduction <add>, %reduce_sum3A_394, %reduce_sum3A_395 [1] : vector<1x1024xf32> to vector<1xf32>
    %reduce_sum3A_397 = vector.shape_cast %reduce_sum3A_396 : vector<1xf32> to vector<1x1xf32>
    %reduce_sum3A_398 = vector.extract %reduce_sum3A_397[0, 0] : f32 from vector<1x1xf32>
    %add3A_399 = arith.addf %add3A_337, %reduce_sum3A_398 : f32
    %reduce_sum3A_400 = arith.constant dense<0.000000e+00> : vector<1024xf32>
    %reduce_sum3A_401 = vector.multi_reduction <add>, %convert_element_type3A_391, %reduce_sum3A_400 [0] : vector<1024x1024xf32> to vector<1024xf32>
    %broadcast_in_dim3A_402 = vector.shape_cast %reduce_sum3A_401 : vector<1024xf32> to vector<1x1024xf32>
    %swap3A_403 = arith.constant 0 : index
    %swap3A_404 = arith.constant 3 : index
    %swap3A_405 = arith.constant 0 : index
    %swap3A_406 = vector.load %arg22[%swap3A_403, %swap3A_404, %swap3A_405] : memref<1x4x1024xf32, #tpu.memory_space<vmem>>, vector<1x1x1024xf32>
    %swap3A_407 = vector.shape_cast %swap3A_406 : vector<1x1x1024xf32> to vector<1x1024xf32>
    %swap3A_408 = vector.shape_cast %broadcast_in_dim3A_402 : vector<1x1024xf32> to vector<1x1x1024xf32>
    tpu.vector_store %arg22[%swap3A_403, %swap3A_404, %swap3A_405], %swap3A_408 {strides = array<i32>} : memref<1x4x1024xf32, #tpu.memory_space<vmem>>, vector<1x1x1024xf32>,
    %sub3A_409 = arith.subf %sub3A_347, %dot_general3A_393 : vector<1024x512xf32>
    %reshape3A_410 = vector.broadcast %add3A_399 : f32 to vector<1x1xf32>
    %broadcast_in_dim3A_411 = vector.shape_cast %reshape3A_410 : vector<1x1xf32> to vector<1x1x1xf32>
    %broadcast_in_dim3A_412 = vector.broadcast %broadcast_in_dim3A_411 : vector<1x1x1xf32> to vector<1x1x128xf32>
    %swap3A_413 = arith.constant 0 : index
    %swap3A_414 = arith.constant 0 : index
    %swap3A_415 = arith.constant 0 : index
    %swap3A_416 = vector.load %arg21[%swap3A_413, %swap3A_414, %swap3A_415] : memref<1x1x128xf32, #tpu.memory_space<vmem>>, vector<1x1x128xf32>
    tpu.vector_store %arg21[%swap3A_413, %swap3A_414, %swap3A_415], %broadcast_in_dim3A_412 {strides = array<i32>} : memref<1x1x128xf32, #tpu.memory_space<vmem>>, vector<1x1x128xf32>,
    %sub3A_417 = arith.subf %select_n3A_143, %sub3A_409 : vector<1024x512xf32>
    %reshape3A_418 = vector.shape_cast %sub3A_417 : vector<1024x512xf32> to vector<8x128x512xf32>
    %concatenate3A_419 = tpu.concatenate %broadcast_in_dim3A_92, %reshape3A_418, %broadcast_in_dim3A_92 in 1 : vector<8x1x512xf32>, vector<8x128x512xf32>, vector<8x1x512xf32> -> vector<8x130x512xf32>
    %get3A_420 = arith.constant 0 : index
    %get3A_421 = arith.constant 0 : index
    %get3A_422 = arith.constant 0 : index
    %get3A_423 = vector.load %arg16[%get3A_420, %get3A_421, %get3A_422] : memref<4x512x512xbf16, #tpu.memory_space<vmem>>, vector<1x512x512xbf16>
    %get3A_424 = vector.shape_cast %get3A_423 : vector<1x512x512xbf16> to vector<512x512xbf16>
    %get3A_425 = arith.constant 1 : index
    %get3A_426 = arith.constant 0 : index
    %get3A_427 = arith.constant 0 : index
    %get3A_428 = vector.load %arg16[%get3A_425, %get3A_426, %get3A_427] : memref<4x512x512xbf16, #tpu.memory_space<vmem>>, vector<1x512x512xbf16>
    %get3A_429 = vector.shape_cast %get3A_428 : vector<1x512x512xbf16> to vector<512x512xbf16>
    %get3A_430 = arith.constant 2 : index
    %get3A_431 = arith.constant 0 : index
    %get3A_432 = arith.constant 0 : index
    %get3A_433 = vector.load %arg16[%get3A_430, %get3A_431, %get3A_432] : memref<4x512x512xbf16, #tpu.memory_space<vmem>>, vector<1x512x512xbf16>
    %get3A_434 = vector.shape_cast %get3A_433 : vector<1x512x512xbf16> to vector<512x512xbf16>
    %get3A_435 = arith.constant 3 : index
    %get3A_436 = arith.constant 0 : index
    %get3A_437 = arith.constant 0 : index
    %get3A_438 = vector.load %arg16[%get3A_435, %get3A_436, %get3A_437] : memref<4x512x512xbf16, #tpu.memory_space<vmem>>, vector<1x512x512xbf16>
    %get3A_439 = vector.shape_cast %get3A_438 : vector<1x512x512xbf16> to vector<512x512xbf16>
    %slice3A_440 = vector.extract_strided_slice %concatenate3A_419 {offsets = [0, 1, 0], sizes = [8, 128, 512], strides = [1, 1, 1]} : vector<8x130x512xf32> to vector<8x128x512xf32>
    %reshape3A_441 = vector.shape_cast %slice3A_440 : vector<8x128x512xf32> to vector<1024x512xf32>
    %convert_element_type3A_442 = arith.truncf %reshape3A_441 : vector<1024x512xf32> to vector<1024x512xbf16>
    %dot_general3A_443 = arith.constant dense<0.000000e+00> : vector<1024x512xf32>
    %dot_general3A_444 = tpu.matmul %convert_element_type3A_442, %get3A_429, %dot_general3A_443 {dimension_numbers = #tpu.dot_dimension_numbers<[1], [0], [0], [1], [0, 0, 1, 1], [], []>, transpose_lhs_hint = false} : vector<1024x512xbf16>, vector<512x512xbf16>, vector<1024x512xf32> -> vector<1024x512xf32>
    %slice3A_445 = vector.extract_strided_slice %concatenate3A_419 {offsets = [0, 0, 0], sizes = [8, 128, 512], strides = [1, 1, 1]} : vector<8x130x512xf32> to vector<8x128x512xf32>
    %reshape3A_446 = vector.shape_cast %slice3A_445 : vector<8x128x512xf32> to vector<1024x512xf32>
    %convert_element_type3A_447 = arith.truncf %reshape3A_446 : vector<1024x512xf32> to vector<1024x512xbf16>
    %dot_general3A_448 = arith.constant dense<0.000000e+00> : vector<1024x512xf32>
    %dot_general3A_449 = tpu.matmul %convert_element_type3A_447, %get3A_439, %dot_general3A_448 {dimension_numbers = #tpu.dot_dimension_numbers<[1], [0], [0], [1], [0, 0, 1, 1], [], []>, transpose_lhs_hint = false} : vector<1024x512xbf16>, vector<512x512xbf16>, vector<1024x512xf32> -> vector<1024x512xf32>
    %add3A_450 = arith.addf %dot_general3A_444, %dot_general3A_449 : vector<1024x512xf32>
    %get3A_451 = arith.constant 0 : index
    %get3A_452 = arith.constant 0 : index
    %get3A_453 = vector.load %arg17[%get3A_451, %get3A_452] : memref<1x512xf32, #tpu.memory_space<vmem>>, vector<1x512xf32>
    %add3A_454 = vector.broadcast %get3A_453 : vector<1x512xf32> to vector<1024x512xf32>
    %add3A_455 = arith.addf %add3A_450, %add3A_454 : vector<1024x512xf32>
    %ge3A_456 = arith.constant 0.000000e+00 : f32
    %ge3A_457 = vector.broadcast %ge3A_456 : f32 to vector<1024x512xf32>
    %ge3A_458 = arith.cmpf oge, %add3A_455, %ge3A_457 : vector<1024x512xf32>
    %mul3A_459 = arith.constant 2.000000e-01 : f32
    %mul3A_460 = vector.broadcast %mul3A_459 : f32 to vector<1024x512xf32>
    %mul3A_461 = arith.mulf %mul3A_460, %add3A_455 : vector<1024x512xf32>
    %select_n3A_462 = arith.select %ge3A_458, %add3A_455, %mul3A_461 : vector<1024x512xi1>, vector<1024x512xf32>
    %slice3A_463 = vector.extract_strided_slice %concatenate3A_419 {offsets = [0, 2, 0], sizes = [8, 128, 512], strides = [1, 1, 1]} : vector<8x130x512xf32> to vector<8x128x512xf32>
    %reshape3A_464 = vector.shape_cast %slice3A_463 : vector<8x128x512xf32> to vector<1024x512xf32>
    %convert_element_type3A_465 = arith.truncf %reshape3A_464 : vector<1024x512xf32> to vector<1024x512xbf16>
    %dot_general3A_466 = arith.constant dense<0.000000e+00> : vector<1024x512xf32>
    %dot_general3A_467 = tpu.matmul %convert_element_type3A_465, %get3A_424, %dot_general3A_466 {dimension_numbers = #tpu.dot_dimension_numbers<[1], [0], [0], [1], [0, 0, 1, 1], [], []>, transpose_lhs_hint = false} : vector<1024x512xbf16>, vector<512x512xbf16>, vector<1024x512xf32> -> vector<1024x512xf32>
    %slice3A_468 = vector.extract_strided_slice %concatenate3A_419 {offsets = [0, 1, 0], sizes = [8, 128, 512], strides = [1, 1, 1]} : vector<8x130x512xf32> to vector<8x128x512xf32>
    %reshape3A_469 = vector.shape_cast %slice3A_468 : vector<8x128x512xf32> to vector<1024x512xf32>
    %convert_element_type3A_470 = arith.truncf %reshape3A_469 : vector<1024x512xf32> to vector<1024x512xbf16>
    %dot_general3A_471 = arith.constant dense<0.000000e+00> : vector<1024x512xf32>
    %dot_general3A_472 = tpu.matmul %convert_element_type3A_470, %get3A_434, %dot_general3A_471 {dimension_numbers = #tpu.dot_dimension_numbers<[1], [0], [0], [1], [0, 0, 1, 1], [], []>, transpose_lhs_hint = false} : vector<1024x512xbf16>, vector<512x512xbf16>, vector<1024x512xf32> -> vector<1024x512xf32>
    %add3A_473 = arith.addf %dot_general3A_467, %dot_general3A_472 : vector<1024x512xf32>
    %get3A_474 = arith.constant 0 : index
    %get3A_475 = arith.constant 0 : index
    %get3A_476 = vector.load %arg17[%get3A_474, %get3A_475] : memref<1x512xf32, #tpu.memory_space<vmem>>, vector<1x512xf32>
    %add3A_477 = vector.broadcast %get3A_476 : vector<1x512xf32> to vector<1024x512xf32>
    %add3A_478 = arith.addf %add3A_473, %add3A_477 : vector<1024x512xf32>
    %ge3A_479 = arith.constant 0.000000e+00 : f32
    %ge3A_480 = vector.broadcast %ge3A_479 : f32 to vector<1024x512xf32>
    %ge3A_481 = arith.cmpf oge, %add3A_478, %ge3A_480 : vector<1024x512xf32>
    %mul3A_482 = arith.constant 2.000000e-01 : f32
    %mul3A_483 = vector.broadcast %mul3A_482 : f32 to vector<1024x512xf32>
    %mul3A_484 = arith.mulf %mul3A_483, %add3A_478 : vector<1024x512xf32>
    %select_n3A_485 = arith.select %ge3A_481, %add3A_478, %mul3A_484 : vector<1024x512xi1>, vector<1024x512xf32>
    %get3A_486 = arith.constant 0 : index
    %get3A_487 = arith.constant 0 : index
    %get3A_488 = arith.constant 0 : index
    %get3A_489 = vector.load %arg18[%get3A_486, %get3A_487, %get3A_488] : memref<4x512x264xbf16, #tpu.memory_space<vmem>>, vector<1x512x264xbf16>
    %get3A_490 = vector.shape_cast %get3A_489 : vector<1x512x264xbf16> to vector<512x264xbf16>
    %get3A_491 = arith.constant 1 : index
    %get3A_492 = arith.constant 0 : index
    %get3A_493 = arith.constant 0 : index
    %get3A_494 = vector.load %arg18[%get3A_491, %get3A_492, %get3A_493] : memref<4x512x264xbf16, #tpu.memory_space<vmem>>, vector<1x512x264xbf16>
    %get3A_495 = vector.shape_cast %get3A_494 : vector<1x512x264xbf16> to vector<512x264xbf16>
    %get3A_496 = arith.constant 2 : index
    %get3A_497 = arith.constant 0 : index
    %get3A_498 = arith.constant 0 : index
    %get3A_499 = vector.load %arg18[%get3A_496, %get3A_497, %get3A_498] : memref<4x512x264xbf16, #tpu.memory_space<vmem>>, vector<1x512x264xbf16>
    %get3A_500 = vector.shape_cast %get3A_499 : vector<1x512x264xbf16> to vector<512x264xbf16>
    %get3A_501 = arith.constant 3 : index
    %get3A_502 = arith.constant 0 : index
    %get3A_503 = arith.constant 0 : index
    %get3A_504 = vector.load %arg18[%get3A_501, %get3A_502, %get3A_503] : memref<4x512x264xbf16, #tpu.memory_space<vmem>>, vector<1x512x264xbf16>
    %get3A_505 = vector.shape_cast %get3A_504 : vector<1x512x264xbf16> to vector<512x264xbf16>
    %reshape3A_506 = vector.shape_cast %select_n3A_462 : vector<1024x512xf32> to vector<8x128x512xf32>
    %reshape3A_507 = vector.shape_cast %select_n3A_485 : vector<1024x512xf32> to vector<8x128x512xf32>
    %concatenate3A_508 = tpu.concatenate %reshape3A_506, %broadcast_in_dim3A_92 in 1 : vector<8x128x512xf32>, vector<8x1x512xf32> -> vector<8x129x512xf32>
    %concatenate3A_509 = tpu.concatenate %broadcast_in_dim3A_92, %reshape3A_507 in 1 : vector<8x1x512xf32>, vector<8x128x512xf32> -> vector<8x129x512xf32>
    %get3A_510 = arith.constant 0 : index
    %get3A_511 = arith.constant 0 : index
    %get3A_512 = vector.load %arg19[%get3A_510, %get3A_511] : memref<1x264xf32, #tpu.memory_space<vmem>>, vector<1x264xf32>
    %convert_element_type3A_513 = arith.truncf %select_n3A_462 : vector<1024x512xf32> to vector<1024x512xbf16>
    %dot_general3A_514 = arith.constant dense<0.000000e+00> : vector<1024x264xf32>
    %dot_general3A_515 = tpu.matmul %convert_element_type3A_513, %get3A_495, %dot_general3A_514 {dimension_numbers = #tpu.dot_dimension_numbers<[1], [0], [0], [1], [0, 0, 1, 1], [], []>, transpose_lhs_hint = false} : vector<1024x512xbf16>, vector<512x264xbf16>, vector<1024x264xf32> -> vector<1024x264xf32>
    %slice3A_516 = vector.extract_strided_slice %concatenate3A_509 {offsets = [0, 0, 0], sizes = [8, 128, 512], strides = [1, 1, 1]} : vector<8x129x512xf32> to vector<8x128x512xf32>
    %reshape3A_517 = vector.shape_cast %slice3A_516 : vector<8x128x512xf32> to vector<1024x512xf32>
    %convert_element_type3A_518 = arith.truncf %reshape3A_517 : vector<1024x512xf32> to vector<1024x512xbf16>
    %dot_general3A_519 = arith.constant dense<0.000000e+00> : vector<1024x264xf32>
    %dot_general3A_520 = tpu.matmul %convert_element_type3A_518, %get3A_505, %dot_general3A_519 {dimension_numbers = #tpu.dot_dimension_numbers<[1], [0], [0], [1], [0, 0, 1, 1], [], []>, transpose_lhs_hint = false} : vector<1024x512xbf16>, vector<512x264xbf16>, vector<1024x264xf32> -> vector<1024x264xf32>
    %add3A_521 = arith.addf %dot_general3A_515, %dot_general3A_520 : vector<1024x264xf32>
    %add3A_522 = vector.broadcast %get3A_512 : vector<1x264xf32> to vector<1024x264xf32>
    %add3A_523 = arith.addf %add3A_521, %add3A_522 : vector<1024x264xf32>
    %convert_element_type3A_524 = arith.truncf %select_n3A_485 : vector<1024x512xf32> to vector<1024x512xbf16>
    %dot_general3A_525 = arith.constant dense<0.000000e+00> : vector<1024x264xf32>
    %dot_general3A_526 = tpu.matmul %convert_element_type3A_524, %get3A_490, %dot_general3A_525 {dimension_numbers = #tpu.dot_dimension_numbers<[1], [0], [0], [1], [0, 0, 1, 1], [], []>, transpose_lhs_hint = false} : vector<1024x512xbf16>, vector<512x264xbf16>, vector<1024x264xf32> -> vector<1024x264xf32>
    %convert_element_type3A_527 = arith.truncf %select_n3A_462 : vector<1024x512xf32> to vector<1024x512xbf16>
    %dot_general3A_528 = arith.constant dense<0.000000e+00> : vector<1024x264xf32>
    %dot_general3A_529 = tpu.matmul %convert_element_type3A_527, %get3A_500, %dot_general3A_528 {dimension_numbers = #tpu.dot_dimension_numbers<[1], [0], [0], [1], [0, 0, 1, 1], [], []>, transpose_lhs_hint = false} : vector<1024x512xbf16>, vector<512x264xbf16>, vector<1024x264xf32> -> vector<1024x264xf32>
    %add3A_530 = arith.addf %dot_general3A_526, %dot_general3A_529 : vector<1024x264xf32>
    %add3A_531 = vector.broadcast %get3A_512 : vector<1x264xf32> to vector<1024x264xf32>
    %add3A_532 = arith.addf %add3A_530, %add3A_531 : vector<1024x264xf32>
    %convert_element_type3A_533 = arith.truncf %select_n3A_485 : vector<1024x512xf32> to vector<1024x512xbf16>
    %dot_general3A_534 = arith.constant dense<0.000000e+00> : vector<1024x264xf32>
    %dot_general3A_535 = tpu.matmul %convert_element_type3A_533, %get3A_495, %dot_general3A_534 {dimension_numbers = #tpu.dot_dimension_numbers<[1], [0], [0], [1], [0, 0, 1, 1], [], []>, transpose_lhs_hint = false} : vector<1024x512xbf16>, vector<512x264xbf16>, vector<1024x264xf32> -> vector<1024x264xf32>
    %convert_element_type3A_536 = arith.truncf %select_n3A_462 : vector<1024x512xf32> to vector<1024x512xbf16>
    %dot_general3A_537 = arith.constant dense<0.000000e+00> : vector<1024x264xf32>
    %dot_general3A_538 = tpu.matmul %convert_element_type3A_536, %get3A_505, %dot_general3A_537 {dimension_numbers = #tpu.dot_dimension_numbers<[1], [0], [0], [1], [0, 0, 1, 1], [], []>, transpose_lhs_hint = false} : vector<1024x512xbf16>, vector<512x264xbf16>, vector<1024x264xf32> -> vector<1024x264xf32>
    %add3A_539 = arith.addf %dot_general3A_535, %dot_general3A_538 : vector<1024x264xf32>
    %add3A_540 = vector.broadcast %get3A_512 : vector<1x264xf32> to vector<1024x264xf32>
    %add3A_541 = arith.addf %add3A_539, %add3A_540 : vector<1024x264xf32>
    %slice3A_542 = vector.extract_strided_slice %concatenate3A_508 {offsets = [0, 1, 0], sizes = [8, 128, 512], strides = [1, 1, 1]} : vector<8x129x512xf32> to vector<8x128x512xf32>
    %reshape3A_543 = vector.shape_cast %slice3A_542 : vector<8x128x512xf32> to vector<1024x512xf32>
    %convert_element_type3A_544 = arith.truncf %reshape3A_543 : vector<1024x512xf32> to vector<1024x512xbf16>
    %dot_general3A_545 = arith.constant dense<0.000000e+00> : vector<1024x264xf32>
    %dot_general3A_546 = tpu.matmul %convert_element_type3A_544, %get3A_490, %dot_general3A_545 {dimension_numbers = #tpu.dot_dimension_numbers<[1], [0], [0], [1], [0, 0, 1, 1], [], []>, transpose_lhs_hint = false} : vector<1024x512xbf16>, vector<512x264xbf16>, vector<1024x264xf32> -> vector<1024x264xf32>
    %convert_element_type3A_547 = arith.truncf %select_n3A_485 : vector<1024x512xf32> to vector<1024x512xbf16>
    %dot_general3A_548 = arith.constant dense<0.000000e+00> : vector<1024x264xf32>
    %dot_general3A_549 = tpu.matmul %convert_element_type3A_547, %get3A_500, %dot_general3A_548 {dimension_numbers = #tpu.dot_dimension_numbers<[1], [0], [0], [1], [0, 0, 1, 1], [], []>, transpose_lhs_hint = false} : vector<1024x512xbf16>, vector<512x264xbf16>, vector<1024x264xf32> -> vector<1024x264xf32>
    %add3A_550 = arith.addf %dot_general3A_546, %dot_general3A_549 : vector<1024x264xf32>
    %add3A_551 = vector.broadcast %get3A_512 : vector<1x264xf32> to vector<1024x264xf32>
    %add3A_552 = arith.addf %add3A_550, %add3A_551 : vector<1024x264xf32>
    %reshape3A_553 = vector.shape_cast %add3A_523 : vector<1024x264xf32> to vector<8x128x264xf32>
    %swap3A_554 = arith.constant 0 : index
    %swap3A_555 = arith.constant 0 : index
    %swap3A_556 = arith.constant 0 : index
    %swap3A_557 = arith.constant 0 : index
    %swap3A_558 = vector.load %arg20[%swap3A_554, %swap3A_555, %swap3A_556, %swap3A_557] : memref<8x4x128x264xf32, #tpu.memory_space<vmem>>, vector<8x1x128x264xf32>
    %swap3A_559 = vector.shape_cast %swap3A_558 : vector<8x1x128x264xf32> to vector<8x128x264xf32>
    %swap3A_560 = vector.shape_cast %reshape3A_553 : vector<8x128x264xf32> to vector<8x1x128x264xf32>
    tpu.vector_store %arg20[%swap3A_554, %swap3A_555, %swap3A_556, %swap3A_557], %swap3A_560 {strides = array<i32>} : memref<8x4x128x264xf32, #tpu.memory_space<vmem>>, vector<8x1x128x264xf32>,
    %reshape3A_561 = vector.shape_cast %add3A_532 : vector<1024x264xf32> to vector<8x128x264xf32>
    %swap3A_562 = arith.constant 0 : index
    %swap3A_563 = arith.constant 1 : index
    %swap3A_564 = arith.constant 0 : index
    %swap3A_565 = arith.constant 0 : index
    %swap3A_566 = vector.load %arg20[%swap3A_562, %swap3A_563, %swap3A_564, %swap3A_565] : memref<8x4x128x264xf32, #tpu.memory_space<vmem>>, vector<8x1x128x264xf32>
    %swap3A_567 = vector.shape_cast %swap3A_566 : vector<8x1x128x264xf32> to vector<8x128x264xf32>
    %swap3A_568 = vector.shape_cast %reshape3A_561 : vector<8x128x264xf32> to vector<8x1x128x264xf32>
    tpu.vector_store %arg20[%swap3A_562, %swap3A_563, %swap3A_564, %swap3A_565], %swap3A_568 {strides = array<i32>} : memref<8x4x128x264xf32, #tpu.memory_space<vmem>>, vector<8x1x128x264xf32>,
    %reshape3A_569 = vector.shape_cast %add3A_541 : vector<1024x264xf32> to vector<8x128x264xf32>
    %swap3A_570 = arith.constant 0 : index
    %swap3A_571 = arith.constant 2 : index
    %swap3A_572 = arith.constant 0 : index
    %swap3A_573 = arith.constant 0 : index
    %swap3A_574 = vector.load %arg20[%swap3A_570, %swap3A_571, %swap3A_572, %swap3A_573] : memref<8x4x128x264xf32, #tpu.memory_space<vmem>>, vector<8x1x128x264xf32>
    %swap3A_575 = vector.shape_cast %swap3A_574 : vector<8x1x128x264xf32> to vector<8x128x264xf32>
    %swap3A_576 = vector.shape_cast %reshape3A_569 : vector<8x128x264xf32> to vector<8x1x128x264xf32>
    tpu.vector_store %arg20[%swap3A_570, %swap3A_571, %swap3A_572, %swap3A_573], %swap3A_576 {strides = array<i32>} : memref<8x4x128x264xf32, #tpu.memory_space<vmem>>, vector<8x1x128x264xf32>,
    %reshape3A_577 = vector.shape_cast %add3A_552 : vector<1024x264xf32> to vector<8x128x264xf32>
    %swap3A_578 = arith.constant 0 : index
    %swap3A_579 = arith.constant 3 : index
    %swap3A_580 = arith.constant 0 : index
    %swap3A_581 = arith.constant 0 : index
    %swap3A_582 = vector.load %arg20[%swap3A_578, %swap3A_579, %swap3A_580, %swap3A_581] : memref<8x4x128x264xf32, #tpu.memory_space<vmem>>, vector<8x1x128x264xf32>
    %swap3A_583 = vector.shape_cast %swap3A_582 : vector<8x1x128x264xf32> to vector<8x128x264xf32>
    %swap3A_584 = vector.shape_cast %reshape3A_577 : vector<8x128x264xf32> to vector<8x1x128x264xf32>
    tpu.vector_store %arg20[%swap3A_578, %swap3A_579, %swap3A_580, %swap3A_581], %swap3A_584 {strides = array<i32>} : memref<8x4x128x264xf32, #tpu.memory_space<vmem>>, vector<8x1x128x264xf32>,
    return
  }
  func.func @transform_0(%arg0: i32) -> (i32, i32, i32) {
    %c0_i32 = arith.constant 0 : i32
    %c0_i32_0 = arith.constant 0 : i32
    %c0_i32_1 = arith.constant 0 : i32
    return %arg0, %c0_i32, %c0_i32_0 : i32, i32, i32
  }
  func.func @transform_1(%arg0: i32) -> (i32, i32, i32) {
    %c0_i32 = arith.constant 0 : i32
    %c0_i32_0 = arith.constant 0 : i32
    %c0_i32_1 = arith.constant 0 : i32
    return %arg0, %c0_i32, %c0_i32_0 : i32, i32, i32
  }
  func.func @transform_2(%arg0: i32) -> (i32, i32, i32) {
    %c0_i32 = arith.constant 0 : i32
    %c0_i32_0 = arith.constant 0 : i32
    %c0_i32_1 = arith.constant 0 : i32
    return %arg0, %c0_i32, %c0_i32_0 : i32, i32, i32
  }
  func.func @transform_3(%arg0: i32) -> (i32, i32, i32) {
    %c0_i32 = arith.constant 0 : i32
    %c0_i32_0 = arith.constant 0 : i32
    %c0_i32_1 = arith.constant 0 : i32
    return %arg0, %c0_i32, %c0_i32_0 : i32, i32, i32
  }
  func.func @transform_4(%arg0: i32) -> (i32, i32, i32) {
    %c0_i32 = arith.constant 0 : i32
    %c0_i32_0 = arith.constant 0 : i32
    %c0_i32_1 = arith.constant 0 : i32
    %c0_i32_2 = arith.constant 0 : i32
    return %c0_i32, %c0_i32_0, %c0_i32_1 : i32, i32, i32
  }
  func.func @transform_5(%arg0: i32) -> (i32, i32) {
    %c0_i32 = arith.constant 0 : i32
    %c0_i32_0 = arith.constant 0 : i32
    %c0_i32_1 = arith.constant 0 : i32
    return %c0_i32, %c0_i32_0 : i32, i32
  }
  func.func @transform_6(%arg0: i32) -> (i32, i32, i32) {
    %c0_i32 = arith.constant 0 : i32
    %c0_i32_0 = arith.constant 0 : i32
    %c0_i32_1 = arith.constant 0 : i32
    %c0_i32_2 = arith.constant 0 : i32
    return %c0_i32, %c0_i32_0, %c0_i32_1 : i32, i32, i32
  }
  func.func @transform_7(%arg0: i32) -> (i32, i32) {
    %c0_i32 = arith.constant 0 : i32
    %c0_i32_0 = arith.constant 0 : i32
    %c0_i32_1 = arith.constant 0 : i32
    return %c0_i32, %c0_i32_0 : i32, i32
  }
  func.func @transform_8(%arg0: i32) -> (i32, i32) {
    %c0_i32 = arith.constant 0 : i32
    %c0_i32_0 = arith.constant 0 : i32
    %c0_i32_1 = arith.constant 0 : i32
    return %c0_i32, %c0_i32_0 : i32, i32
  }
  func.func @transform_9(%arg0: i32) -> (i32, i32) {
    %c0_i32 = arith.constant 0 : i32
    %c0_i32_0 = arith.constant 0 : i32
    %c0_i32_1 = arith.constant 0 : i32
    return %c0_i32, %c0_i32_0 : i32, i32
  }
  func.func @transform_10(%arg0: i32) -> (i32, i32) {
    %c0_i32 = arith.constant 0 : i32
    %c0_i32_0 = arith.constant 0 : i32
    %c0_i32_1 = arith.constant 0 : i32
    return %c0_i32, %c0_i32_0 : i32, i32
  }
  func.func @transform_11(%arg0: i32) -> (i32, i32) {
    %c0_i32 = arith.constant 0 : i32
    %c0_i32_0 = arith.constant 0 : i32
    %c0_i32_1 = arith.constant 0 : i32
    return %c0_i32, %c0_i32_0 : i32, i32
  }
  func.func @transform_12(%arg0: i32) -> (i32, i32, i32) {
    %c0_i32 = arith.constant 0 : i32
    %c0_i32_0 = arith.constant 0 : i32
    %c0_i32_1 = arith.constant 0 : i32
    %c0_i32_2 = arith.constant 0 : i32
    return %c0_i32, %c0_i32_0, %c0_i32_1 : i32, i32, i32
  }
  func.func @transform_13(%arg0: i32) -> (i32, i32, i32) {
    %c0_i32 = arith.constant 0 : i32
    %c0_i32_0 = arith.constant 0 : i32
    %c0_i32_1 = arith.constant 0 : i32
    %c0_i32_2 = arith.constant 0 : i32
    return %c0_i32, %c0_i32_0, %c0_i32_1 : i32, i32, i32
  }
  func.func @transform_14(%arg0: i32) -> (i32, i32, i32) {
    %c0_i32 = arith.constant 0 : i32
    %c0_i32_0 = arith.constant 0 : i32
    %c0_i32_1 = arith.constant 0 : i32
    %c0_i32_2 = arith.constant 0 : i32
    return %c0_i32, %c0_i32_0, %c0_i32_1 : i32, i32, i32
  }
  func.func @transform_15(%arg0: i32) -> (i32, i32, i32) {
    %c0_i32 = arith.constant 0 : i32
    %c0_i32_0 = arith.constant 0 : i32
    %c0_i32_1 = arith.constant 0 : i32
    %c0_i32_2 = arith.constant 0 : i32
    return %c0_i32, %c0_i32_0, %c0_i32_1 : i32, i32, i32
  }
  func.func @transform_16(%arg0: i32) -> (i32, i32) {
    %c0_i32 = arith.constant 0 : i32
    %c0_i32_0 = arith.constant 0 : i32
    %c0_i32_1 = arith.constant 0 : i32
    return %c0_i32, %c0_i32_0 : i32, i32
  }
  func.func @transform_17(%arg0: i32) -> (i32, i32, i32) {
    %c0_i32 = arith.constant 0 : i32
    %c0_i32_0 = arith.constant 0 : i32
    %c0_i32_1 = arith.constant 0 : i32
    %c0_i32_2 = arith.constant 0 : i32
    return %c0_i32, %c0_i32_0, %c0_i32_1 : i32, i32, i32
  }
  func.func @transform_18(%arg0: i32) -> (i32, i32) {
    %c0_i32 = arith.constant 0 : i32
    %c0_i32_0 = arith.constant 0 : i32
    %c0_i32_1 = arith.constant 0 : i32
    return %c0_i32, %c0_i32_0 : i32, i32
  }
  func.func @transform_19(%arg0: i32) -> (i32, i32, i32, i32) {
    %c0_i32 = arith.constant 0 : i32
    %c0_i32_0 = arith.constant 0 : i32
    %c0_i32_1 = arith.constant 0 : i32
    %c0_i32_2 = arith.constant 0 : i32
    return %arg0, %c0_i32, %c0_i32_0, %c0_i32_1 : i32, i32, i32, i32
  }
  func.func @transform_20(%arg0: i32) -> (i32, i32, i32) {
    %c0_i32 = arith.constant 0 : i32
    %c0_i32_0 = arith.constant 0 : i32
    %c0_i32_1 = arith.constant 0 : i32
    return %arg0, %c0_i32, %c0_i32_0 : i32, i32, i32
  }
  func.func @transform_21(%arg0: i32) -> (i32, i32, i32) {
    %c0_i32 = arith.constant 0 : i32
    %c0_i32_0 = arith.constant 0 : i32
    %c0_i32_1 = arith.constant 0 : i32
    return %arg0, %c0_i32, %c0_i32_0 : i32, i32, i32
  }
}

module attributes {stable_mosaic.version = 14 : i64} {
  func.func @_reduce_body(%arg0: memref<16x1x128xf32, #tpu.memory_space<vmem>>, %arg1: memref<16x4x1024xf32, #tpu.memory_space<vmem>>, %arg2: memref<1x1xf32, #tpu.memory_space<vmem>>, %arg3: memref<1x1xf32, #tpu.memory_space<vmem>>) attributes {dimension_semantics = [], scalar_prefetch = 0 : i64, scratch_operands = 0 : i64, tpu.core_type = #tpu.core_type<tc>} {
    %get3A = arith.constant 0 : index
    %get3A_0 = arith.constant 0 : index
    %get3A_1 = arith.constant 0 : index
    %get3A_2 = vector.load %arg0[%get3A, %get3A_0, %get3A_1] : memref<16x1x128xf32, #tpu.memory_space<vmem>>, vector<16x1x1xf32>
    %reduce_sum3A = vector.shape_cast %get3A_2 : vector<16x1x1xf32> to vector<1x16x1x1xf32>
    %reduce_sum3A_3 = arith.constant dense<0.000000e+00> : vector<1xf32>
    %reduce_sum3A_4 = vector.multi_reduction <add>, %reduce_sum3A, %reduce_sum3A_3 [1, 2, 3] : vector<1x16x1x1xf32> to vector<1xf32>
    %reduce_sum3A_5 = vector.shape_cast %reduce_sum3A_4 : vector<1xf32> to vector<1x1x1x1xf32>
    %reduce_sum3A_6 = vector.extract %reduce_sum3A_5[0, 0, 0, 0] : f32 from vector<1x1x1x1xf32>
    %mul3A = arith.constant 2.500000e-01 : f32
    %mul3A_7 = arith.mulf %mul3A, %reduce_sum3A_6 : f32
    %div3A = arith.constant 0x4B000000 : f32
    %div3A_8 = arith.divf %mul3A_7, %div3A : f32
    %reshape3A = vector.broadcast %div3A_8 : f32 to vector<1x1xf32>
    %swap3A = arith.constant 0 : index
    %swap3A_9 = arith.constant 0 : index
    %swap3A_10 = vector.load %arg2[%swap3A, %swap3A_9] : memref<1x1xf32, #tpu.memory_space<vmem>>, vector<1x1xf32>
    tpu.vector_store %arg2[%swap3A, %swap3A_9], %reshape3A {strides = array<i32>} : memref<1x1xf32, #tpu.memory_space<vmem>>, vector<1x1xf32>,
    %get3A_11 = arith.constant 0 : index
    %get3A_12 = arith.constant 0 : index
    %get3A_13 = arith.constant 0 : index
    %get3A_14 = vector.load %arg1[%get3A_11, %get3A_12, %get3A_13] : memref<16x4x1024xf32, #tpu.memory_space<vmem>>, vector<16x4x1024xf32>
    %reduce_sum3A_15 = arith.constant dense<0.000000e+00> : vector<4x1024xf32>
    %reduce_sum3A_16 = vector.multi_reduction <add>, %get3A_14, %reduce_sum3A_15 [0] : vector<16x4x1024xf32> to vector<4x1024xf32>
    %mul3A_17 = arith.constant 6.10351563E-5 : f32
    %mul3A_18 = vector.broadcast %mul3A_17 : f32 to vector<4x1024xf32>
    %mul3A_19 = arith.mulf %reduce_sum3A_16, %mul3A_18 : vector<4x1024xf32>
    %add3A = arith.constant 1.000000e-10 : f32
    %add3A_20 = vector.broadcast %add3A : f32 to vector<4x1024xf32>
    %add3A_21 = arith.addf %mul3A_19, %add3A_20 : vector<4x1024xf32>
    %log3A = math.log %add3A_21 : vector<4x1024xf32>
    %mul3A_22 = arith.mulf %mul3A_19, %log3A : vector<4x1024xf32>
    %reduce_sum3A_23 = arith.constant dense<0.000000e+00> : vector<4xf32>
    %reduce_sum3A_24 = vector.multi_reduction <add>, %mul3A_22, %reduce_sum3A_23 [1] : vector<4x1024xf32> to vector<4xf32>
    %neg3A = arith.constant 0.000000e+00 : f32
    %neg3A_25 = vector.broadcast %neg3A : f32 to vector<4xf32>
    %neg3A_26 = arith.subf %neg3A_25, %reduce_sum3A_24 : vector<4xf32>
    %exp3A = math.exp %neg3A_26 : vector<4xf32>
    %reduce_sum3A_27 = vector.shape_cast %exp3A : vector<4xf32> to vector<1x4xf32>
    %reduce_sum3A_28 = arith.constant dense<0.000000e+00> : vector<1xf32>
    %reduce_sum3A_29 = vector.multi_reduction <add>, %reduce_sum3A_27, %reduce_sum3A_28 [1] : vector<1x4xf32> to vector<1xf32>
    %reduce_sum3A_30 = vector.shape_cast %reduce_sum3A_29 : vector<1xf32> to vector<1x1xf32>
    %reduce_sum3A_31 = vector.extract %reduce_sum3A_30[0, 0] : f32 from vector<1x1xf32>
    %div3A_32 = arith.constant 4.000000e+00 : f32
    %div3A_33 = arith.divf %reduce_sum3A_31, %div3A_32 : f32
    %reshape3A_34 = vector.broadcast %div3A_33 : f32 to vector<1x1xf32>
    %swap3A_35 = arith.constant 0 : index
    %swap3A_36 = arith.constant 0 : index
    %swap3A_37 = vector.load %arg3[%swap3A_35, %swap3A_36] : memref<1x1xf32, #tpu.memory_space<vmem>>, vector<1x1xf32>
    tpu.vector_store %arg3[%swap3A_35, %swap3A_36], %reshape3A_34 {strides = array<i32>} : memref<1x1xf32, #tpu.memory_space<vmem>>, vector<1x1xf32>,
    return
  }
}

</mosaic_0001>

<sc_bundles>
// kernel: sparse-core-data-format-call.1.cloned.1.call-start
scs
called_computation.1_lowered:
.L_overlay_start_0:
0x0: {  	s1 =	sld [smem:$0x3FD9]  }
0x1: {  	s2 =	sld [smem:$0x3FFE];
	_ =	sdelay $0x1  }
0x2: {  	s3 =	srdreg.scid  }
0x3: {  	s0 =	sand.u32 $0x1, s3  }
0x4: {  	s17 =	sshll.u32 s0, $0xA;
	s1 =	sadd.s32 s2, s1  }
0x5: {  	s1 =	sadd.s32 s1, s17  }
0x6: {  	[smem:$0x3FB7] =	sst s1  }
0x7: {  	_ = 	snop  }
0x8: {  	(tm) =	ssettm $0x1  }
0x9: {  	s18 =	sld [smem:$0x3FFB];
	_ =	sdelay $0x3  }
0xa: {  	_ =	strace s18  }
0xb: {  	s1 =	sld [smem:$0x3FFC];
	_ =	sdelay $0x3  }
0xc: {  	_ =	strace s1  }
0xd: {  	s1 =	sld [smem:$0x3FFD];
	_ =	sdelay $0x3  }
0xe: {  	_ =	strace s1  }
0xf: {  	_ =	strace $0x8FFFFFFF  }
0x10: {  	s19 =	sld [smem:$0x3FDB];
	_ =	sdelay $0x1  }
0x11: {  	s20 =	simm.s32 $_scs_section_size  }
0x12: {  	s4 =	simm.s32 $_size__tile_overlayer_lowered;
	s5 =	simm.s32 $_tile_overlayer_lowered  }
0x13: {  	s23 =	simm.s32 $0x1BFF;
	s22 =	sshll.u32 s5, $0x1;
	s1 =	sadd.s32 s20, s19  }
0x14: {  	s6 =	simm.s32 $0x0;
	s21 =	sshll.u32 s4, $0x1;
	s4 =	sadd.s32 s22, s1  }
0x15: {  	[timem:s6], [sflag:s23] =	dma.local [hbm:s4], s21  }
0x16: {  	_ =	swait.ge [sflag:s23], s21  }
0x17: {  	s2 =	ssub.s32 $0x0, s21;
	[sflag:s23] =	ssyncset.done $0x0  }
0x18: {  	[sflag:s23] =	ssyncadd.s32 s2;
	_ =	sdelay $0x1  }
0x19: {  	s24 =	simm.s32 $0x1B8B  }
0x1a: {  	_ =	swait.ge [sflag:s24], $0x1  }
0x1b: {  	[sflag:s24] =	ssyncset.done $0x0  }
0x1c: {  	s26 =	simm.s32 $0x1B8E;
	s25 =	sld [smem:$0x3FFE];
	[sflag:s24] =	ssyncadd.s32 $0xFFFFFFFF  }
0x1d: {  	s27 =	simm.s32 $execute0_lowered;
	[smem:$0x3FD2] =	sst s26  }
0x1e: {  	s4 =	sshll.u32 s27, $0x1;
	_ =	strace $0x80000049;
	[dreg:$0x1] =	wrdreg $0xFFFFFFFF  }
0x1f: {  	s28 =	simm.s32 $_size_execute0_lowered;
	s1 =	sadd.s32 s1, s4;
	[dreg:$0x0] =	wrdreg $0x0  }
0x20: {  	s4 =	sshll.u32 s28, $0x1;
	[dreg:$0x2] =	wrdreg s1  }
0x21: {  	[dreg:$0x3] =	wrdreg s4  }
0x22: {  	[dreg:$0x4] =	wrdreg $0xC0  }
0x23: {  	_ =	task [dreg:s6], $0x5FFFF  }
0x24: {  	[dreg:$0x1] =	wrdreg $0xFFFFFFFF  }
0x25: {  	[dreg:$0x0] =	wrdreg $0x60  }
0x26: {  	[dreg:$0x2] =	wrdreg s25  }
0x27: {  	[dreg:$0x3] =	wrdreg $0x9  }
0x28: {  	_ =	task.clear_ibuf [dreg:s6], $0x4FFFF;
	_ =	strace $0x90000049  }
0x29: {  	s29 =	simm.s32 $0x9;
	_ =	strace $0x8000004B  }
0x2a: {  	_ =	swait.ge [sflag:s29], $0x1  }
0x2b: {  	[sflag:s29] =	ssyncadd.s32 $0xFFFFFFFF  }
0x2c: {  	_ =	strace $0x9000004B  }
0x2d: {  	_ =	sfence  }
0x2e: {  	s30 =	sld [smem:$0x0];
	_ =	sdelay $0x2  }
0x2f: {  	s31 =	sshll.u32 s3, $0xD;
	s3 =	sshrl.u32 s3, $0x2  }
0x30: {  	s2 =	sand.u32 $0x4000, s31;
	s1 =	sadd.s32 s3, s30  }
0x31: {  	s0 =	sor.u32 s2, s0;
	s1 =	sshll.u32 s1, $0x11  }
0x32: {  	s0 =	sor.u32 s1, s0  }
0x33: {  	s0 =	sadd.s32 $0x8F2B, s0  }
0x34: {  	[sflag:s0] =	ssyncadd.remote.s32 $0x1  }
0x35: {  	_ =	sfence.sel $0xFFFF  }
0x36: {  	[dreg:$0x0] =	wrdreg $0xFFFFFFFF;
	(pc) =	sbr.abs _section_cstart, $3  }
0x37: {  	[dreg:$0x1] =	wrdreg $0xFFFFFFFF  }
0x38: {  	_ =	task.clear_ibuf [dreg:s6], $0x2FFFF;
	_ =	strace $0x9FFFFFFF  }
0x39: {  	(tm) =	ssettm $0x7FFFFFFF  }
tec
execute0_lowered:
.L_overlay_start_1:
0x0: {  	(tag) =	ssettag $0x1  }
0x1: {  	s1 =	rddreg [dreg:$0x0]  }
0x2: {  	s0 =	rddreg [dreg:$0x1];
	_ =	strace $0x8000004A;
	s4 =	srdreg.scid  }
0x3: {  	s7 =	simm.s32 $0x2;
	s16 =	simm.s32 $0x0;
	p0 =	por $0x0, $0x0  }
0x4: {  	s19 =	simm.s32 $0x0;
	s18 =	simm.s32 $0x0;
	s17 =	simm.s32 $0x0  }
0x5: {  	s8 =	simm.s32 $0x0;
	s10 =	simm.s32 $0x0;
	s11 =	simm.s32 $0x0  }
0x6: {  	s12 =	simm.s32 $0x0;
	s15 =	simm.s32 $0x0;
	s2 =	sadd.s32 $0x198E00, s1  }
.Ltmp0:
0x7: {  	s3 =	sadd.s32 $0x498E00, s1;
	s4 =	sshll.u32 s4, $0x4;
	(pc) =	sbr.rel .LBB1_1-.Ltmp0, $4  }
0x8: {  	s1 =	stileid.u32;
	s5 =	sand.u32 $0x10, s4;
	s4 =	simm.s32 $0x1  }
0x9: {  	s9 =	simm.s32 $0x0;
	s6 =	sor.u32 s1, s5;
	[sflag:s4] =	ssyncpa.u1 $0x0  }
0xa: {  	s5 =	sand.u32 $0x3, s1;
	s6 =	sshrl.u32 s6, $0x2;
	[sflag:s7] =	ssyncpa.u1 $0x0  }
0xb: {  	s7 =	simm.s32 $0x0;
	s14 =	smov.u32 s5;
	s13 =	smov.u32 s6  }
.LBB1_5:
0xc: {  	p1 =	slt.u32 s9, $0x2;
	s20 =	smov.u32 s19  }
0xd: {  	s22 =	smov.u32 s14;
	s23 =	smov.u32 s15;
	s9 =	sadd.s32 $0x1, s9  }
0xe: {  	p0 =	por !p0, !p0;
	p2 =	sgt.s32 @!p1 s19, $0x7F;
	s21 =	sshra.s32 @!p1 s19, $0x1F  }
0xf: {  	p3 =	sgt.s32 @!p1 s16, $0x88;
	p2 =	por !p2, p1;
	s19 =	sand.u32 @!p1 s21, s19  }
0x10: {  	s21 =	sshra.s32 @!p1 s18, $0x1F;
	s20 =	simm.s32 @p2 $0x7F;
	p2 =	sgt.s32 @!p1 s18, $0x3  }
0x11: {  	p3 =	por !p3, p1;
	s19 =	ssub.s32 @!p1 s20, s19;
	p2 =	por !p2, p1  }
0x12: {  	s20 =	smov.u32 s18;
	s18 =	sand.u32 @!p1 s21, s18;
	s21 =	sadd.s32 @!p1 $0xFFFFFF81, s19  }
0x13: {  	s20 =	simm.s32 @p2 $0x3;
	s19 =	ssub.s32 @!p1 $0x80, s19;
	p2 =	sgt.s32 @!p1 s21, $0x0  }
0x14: {  	s18 =	ssub.s32 @!p1 s20, s18;
	s21 =	smov.u32 s16;
	p2 =	por !p2, p1  }
0x15: {  	s20 =	sadd.s32 @!p1 $0xFFFFFFFD, s18;
	s18 =	ssub.s32 @!p1 $0x4, s18;
	s21 =	simm.s32 @p3 $0x88  }
0x16: {  	s19 =	simm.s32 @!p2 $0x0;
	p2 =	sgt.s32 @!p1 s20, $0x0;
	s20 =	ssub.s32 @!p1 $0x0, s17  }
0x17: {  	p2 =	por !p2, p1;
	s17 =	smin.u32 @!p1 s17, s20;
	s20 =	sshra.s32 @!p1 s16, $0x1F  }
0x18: {  	s16 =	sand.u32 @!p1 s20, s16;
	p3 =	sgt.s32 @!p1 s17, $0x7F;
	s17 =	ssub.s32 @!p1 $0x80, s17  }
0x19: {  	s18 =	simm.s32 @!p2 $0x0;
	s16 =	ssub.s32 @!p1 s21, s16;
	p3 =	por !p3, p1  }
0x1a: {  	s21 =	smov.u32 s13;
	s20 =	sadd.s32 @!p1 $0xFFFFFF78, s16;
	s17 =	simm.s32 @!p3 $0x0  }
0x1b: {  	p2 =	sgt.s32 @!p1 s20, $0x7F;
	s17 =	smul.u32 @!p1 s17, s18;
	s20 =	sadd.s32 $0x80, s12  }
0x1c: {  	s16 =	ssub.s32 @!p1 $0x108, s16;
	s18 =	sadd.s32 $0x8, s13;
	p3 =	sgt.s32 s20, $0x107  }
0x1d: {  	p2 =	por !p2, p1;
	s17 =	smul.u32 @!p1 s19, s17;
	s21 =	smov.u32 @p3 s18  }
0x1e: {  	s16 =	simm.s32 @!p2 $0x0;
	s18 =	sadd.s32 $0x4, s14;
	p2 =	sgt.s32 s21, $0x7F  }
0x1f: {  	s24 =	simm.s32 @!p1 $0x2;
	s20 =	simm.s32 @p3 $0x0;
	s22 =	smov.u32 @p2 s18  }
0x20: {  	s16 =	smul.u32 @!p1 s16, s17;
	s17 =	sadd.s32 $0x80, s15;
	p3 =	sgt.s32 s22, $0x3  }
0x21: {  	s19 =	smov.u32 s8;
	s8 =	smov.u32 s13;
	s23 =	smov.u32 @p3 s17  }
0x22: {  	s21 =	smov.u32 @p2 s6;
	s18 =	smov.u32 s10;
	p2 =	sgt.s32 s23, $0x7F  }
0x23: {  	s10 =	smov.u32 s14;
	s23 =	simm.s32 @p2 $0x0;
	p2 =	sne.s32 s9, $0x32  }
.Ltmp1:
0x24: {  	s13 =	smov.u32 s21;
	s16 =	sand.u32 @!p1 $0x3FFFFFFF, s16;
	(pc) =	sbr.rel @!p2 .LBB1_6-.Ltmp1, $4  }
0x25: {  	s22 =	smov.u32 @p3 s5;
	s17 =	smov.u32 s11;
	s11 =	smov.u32 s15  }
0x26: {  	_ =	swait.ge @!p1 [sflag:s24], s16;
	s25 =	ssub.s32 @!p1 $0x0, s16;
	s16 =	smov.u32 s7  }
0x27: {  	s7 =	smov.u32 s12;
	s12 =	smov.u32 s20;
	[sflag:s24] =	ssyncset.done @!p1 $0x0  }
0x28: {  	s14 =	smov.u32 s22;
	[sflag:s24] =	ssyncadd.s32 @!p1 s25;
	s15 =	smov.u32 s23  }
.LBB1_1:
0x29: {  	p1 =	sgt.u32 s9, $0x2F  }
0x2a: {  	s20 =	sshrl.u32 @!p1 s13, $0x3  }
0x2b: {  	s21 =	sshll.u32 @!p1 s12, $0x3;
	s20 =	smul.u32 @!p1 $0xC00, s20  }
0x2c: {  	s22 =	sshll.u32 @!p1 s13, $0x7;
	s21 =	sand.u32 @!p1 $0xFFFFFC00, s21  }
0x2d: {  	s20 =	sadd.s32 @!p1 s20, s21;
	s21 =	sand.u32 @!p1 $0x380, s22  }
0x2e: {  	s22 =	sand.u32 @!p1 $0x7F, s12;
	s20 =	sor.u32 @!p1 s21, s20  }
0x2f: {  	s21 =	sor.u32 @!p1 s22, s20  }
0x30: {  	s22 =	smulhi.u32 @!p1 $0xAAAAAAAB, s21  }
0x31: {  	s20 =	smulhi.u32 @!p1 $0xAAAAAAAB, s20  }
0x32: {  	s24 =	smul.u32 @!p1 $0x6000, s15;
	s22 =	sshrl.u32 @!p1 s22, $0x8  }
0x33: {  	s23 =	sxor.u32 @!p1 $0xFFFFFFFF, s9;
	s20 =	sshrl.u32 @!p1 s20, $0x8;
	s22 =	smul.u32 @!p1 $0x180, s22  }
0x34: {  	s25 =	smul.u32 @!p1 $0x1800, s14;
	s23 =	sshll.u32 @!p1 s23, $0xE;
	s20 =	sand.u32 @!p1 $0x7F, s20  }
0x35: {  	s20 =	smul.u32 @!p1 $0x30, s20;
	s21 =	ssub.s32 @!p1 s21, s22;
	s22 =	sadd.s32 @!p1 s2, s24  }
0x36: {  	s23 =	sand.u32 @!p1 $0x4000, s23;
	s22 =	sadd.s32 @!p1 s25, s22;
	s24 =	sand.u32 @!p1 $0x7, s21  }
0x37: {  	s21 =	sshrl.u32 @!p1 s21, $0x3;
	s20 =	sadd.s32 @!p1 s20, s22;
	s22 =	sshll.u32 @!p1 s24, $0x12  }
0x38: {  	s20 =	sadd.s32 @!p1 s21, s20;
	s21 =	sor.u32 @!p1 $0x80, s22;
	s22 =	simm.s32 @!p1 $0x30000  }
0x39: {  	[tilespmem:s23], [sflag:$0x1] =	stream.strided.gather @!p1 [hbm4b:s20+s21], $0x4000, s22, s21, $0x38;
	[tilespmem:$0x10100] =	vst v63  }
0x3a: {  	p1 =	seq.s32 s9, $0x0  }
0x3b: {  	p2 =	seq.s32 @!p1 s9, $0x31  }
0x3c: {  	p1 =	por p1, p2  }
.Ltmp2:
0x3d: {  	_ = 	snop;
	(pc) =	sbr.rel @p1 .LBB1_5-.Ltmp2, $1  }
0x3e: {  	_ =	sdelay $0x3  }
0x3f: {  	s20 =	simm.s32 $0x1  }
0x40: {  	_ =	swait.ge [sflag:s4], $0x4000;
	s20 =	simm.s32 @!p0 $0x0  }
0x41: {  	[sflag:s4] =	ssyncset.done $0x0;
	s21 =	sshll.u32 s20, $0xE  }
0x42: {  	[sflag:s4] =	ssyncadd.s32 $0xFFFFC000;
	s21 =	sor.u32 $0x40, s21  }
0x43: {  	s20 =	smul.u32 $0x10200, s20;
	v0 =	vld [tilespmem:s21+$0x30]  }
0x44: {  	v1 =	vld [tilespmem:s21+$0xFFFFFFD0]  }
0x45: {  	s20 =	sshrl.u32 s20, $0x2;
	v5 =	vld [tilespmem:s21+$0xFFFFFFE0]  }
0x46: {  	v6 =	vld [tilespmem:s21+$0xFFFFFFF0];
	s23 =	sor.u32 $0x8000, s20  }
0x47: {  	s31 =	sand.u32 $0x1, s9;
	v4 =	vld [tilespmem:s21+$0x0];
	s22 =	sadd.s32 $0x0, s23  }
0x48: {  	v3 =	vld [tilespmem:s21+$0x10];
	s20 =	smul.u32 $0x10200, s31;
	[tilespmem:s22+$0x3870 ss:$0x81] =	vst.msk $0xffff, v0  }
0x49: {  	v2 =	vld [tilespmem:s21+$0x20];
	[tilespmem:s22+$0x810 ss:$0x81] =	vst.msk $0xffff, v1  }
0x4a: {  	s20 =	sshrl.u32 s20, $0x2;
	v1 =	vld [tilespmem:s21+$0xFFFFFFC0];
	[tilespmem:s22+$0x1020 ss:$0x81] =	vst.msk $0xffff, v5;
	s21 =	sadd.s32 $0x80, s21  }
0x4b: {  	s24 =	simm.s32 $0x4;
	s25 =	simm.s32 $0x8;
	s20 =	sor.u32 $0x8000, s20;
	[tilespmem:s22+$0x1830 ss:$0x81] =	vst.msk $0xffff, v6;
	v0 =	vld [tilespmem:s21+$0x30]  }
.LBB1_3:
0x4c: {  	p1 =	sne.s32 s25, $0x1FC;
	v5 =	vld [tilespmem:s21+$0xFFFFFFD0];
	[tilespmem:s22+$0x2040 ss:$0x81] =	vst.msk $0xffff, v4  }
0x4d: {  	v6 =	vld [tilespmem:s21+$0xFFFFFFE0];
	[tilespmem:s22+$0x2850 ss:$0x81] =	vst.msk $0xffff, v3  }
0x4e: {  	s26 =	sshra.s32 s24, $0x2;
	s24 =	smov.u32 s25;
	v7 =	vld [tilespmem:s21+$0xFFFFFFF0];
	[tilespmem:s22+$0x3060 ss:$0x81] =	vst.msk $0xffff, v2  }
.Ltmp3:
0x4f: {  	v4 =	vld [tilespmem:s21+$0x0];
	[tilespmem:s22+$0x0 ss:$0x81] =	vst.msk $0xffff, v1;
	s22 =	sadd.s32 s26, s23;
	(pc) =	sbr.rel @p1 .LBB1_3-.Ltmp3, $4  }
0x50: {  	v3 =	vld [tilespmem:s21+$0x10];
	[tilespmem:s22+$0x3870 ss:$0x81] =	vst.msk $0xffff, v0  }
0x51: {  	[tilespmem:s22+$0x810 ss:$0x81] =	vst.msk $0xffff, v5;
	v2 =	vld [tilespmem:s21+$0x20]  }
0x52: {  	v1 =	vld [tilespmem:s21+$0xFFFFFFC0];
	[tilespmem:s22+$0x1020 ss:$0x81] =	vst.msk $0xffff, v6;
	s21 =	sadd.s32 $0x80, s21  }
0x53: {  	s25 =	sadd.s32 $0x4, s25;
	v0 =	vld [tilespmem:s21+$0x30];
	[tilespmem:s22+$0x1830 ss:$0x81] =	vst.msk $0xffff, v7  }
0x54: {  	s25 =	sshll.u32 s7, $0x7  }
0x55: {  	s26 =	sshll.u32 s11, $0x3;
	s24 =	sshra.s32 s24, $0x2;
	p1 =	sgt.s32 s8, $0x7F  }
0x56: {  	s28 =	sshra.s32 s8, $0x1F;
	p2 =	sgt.s32 s10, $0x3;
	s29 =	sshra.s32 s10, $0x1F  }
0x57: {  	s31 =	sshra.s32 s7, $0x1F;
	s27 =	sand.u32 $0xFFFFFC00, s25;
	s26 =	sand.u32 $0xFFFFFC00, s26  }
0x58: {  	s25 =	sand.u32 $0x380, s25;
	s28 =	sand.u32 s28, s8;
	s26 =	sadd.s32 s26, s27  }
0x59: {  	s23 =	sadd.s32 s24, s23;
	s27 =	smov.u32 s8;
	s25 =	sor.u32 s25, s26  }
0x5a: {  	s30 =	sand.u32 s29, s10;
	s27 =	simm.s32 @!p1 $0x7F;
	s24 =	sshrl.u32 s25, $0x7  }
0x5b: {  	s25 =	ssub.s32 s27, s28;
	s27 =	smov.u32 s10;
	s28 =	sand.u32 s31, s7  }
0x5c: {  	s26 =	sadd.s32 $0xFFFFFF81, s25;
	s27 =	simm.s32 @!p2 $0x3;
	p2 =	sgt.s32 s7, $0x88  }
0x5d: {  	s31 =	smulhi.u32 $0xF83E10, s24;
	p1 =	sgt.s32 s26, $0x0;
	s26 =	ssub.s32 s27, s30  }
0x5e: {  	v5 =	vld [tilespmem:s21+$0xFFFFFFD0];
	[tilespmem:s22+$0x2040 ss:$0x81] =	vst.msk $0xffff, v4;
	s27 =	smov.u32 s7;
	s30 =	ssub.s32 $0x0, s11;
	s29 =	sadd.s32 $0xFFFFFFFD, s26  }
0x5f: {  	v58 =	vld [tilespmem:s21+$0xFFFFFFE0];
	[tilespmem:s22+$0x2850 ss:$0x81] =	vst.msk $0xffff, v3;
	s27 =	simm.s32 @!p2 $0x88;
	s26 =	ssub.s32 $0x4, s26;
	p2 =	sgt.s32 s29, $0x0  }
0x60: {  	v59 =	vld [tilespmem:s21+$0xFFFFFFF0];
	[tilespmem:s22+$0x3060 ss:$0x81] =	vst.msk $0xffff, v2;
	s27 =	ssub.s32 s27, s28;
	s28 =	smin.u32 s11, s30;
	s30 =	smul.u32 $0x1080, s10  }
0x61: {  	v60 =	vld [tilespmem:s21+$0x0];
	[tilespmem:s22+$0x0 ss:$0x81] =	vst.msk $0xffff, v1;
	s26 =	simm.s32 @p2 $0x0;
	p2 =	sgt.s32 s28, $0x7F;
	s22 =	ssub.s32 $0x80, s28  }
0x62: {  	v61 =	vld [tilespmem:s21+$0x10];
	[tilespmem:s23+$0x3870 ss:$0x81] =	vst.msk $0xffff, v0;
	s25 =	ssub.s32 $0x80, s25;
	s28 =	smul.u32 $0x108, s31;
	s22 =	simm.s32 @p2 $0x0  }
0x63: {  	v62 =	vld [tilespmem:s21+$0x20];
	[tilespmem:s23+$0x810 ss:$0x81] =	vst.msk $0xffff, v5;
	s25 =	simm.s32 @p1 $0x0;
	s29 =	sadd.s32 $0xFFFFFF78, s27;
	s22 =	smul.u32 s22, s26  }
0x64: {  	v63 =	vld [tilespmem:s21+$0xFFFFFFC0];
	[tilespmem:s23+$0x1020 ss:$0x81] =	vst.msk $0xffff, v58;
	s21 =	ssub.s32 $0x108, s27;
	p1 =	sgt.s32 s29, $0x7F;
	s29 =	smul.u32 $0x4200, s8  }
0x65: {  	[tilespmem:s23+$0x1830 ss:$0x81] =	vst.msk $0xffff, v59;
	s31 =	sshrl.u32 s11, $0x3;
	s21 =	simm.s32 @p1 $0x0;
	s22 =	smul.u32 s25, s22  }
.Ltmp4:
0x66: {  	[tilespmem:s23+$0x2040 ss:$0x81] =	vst.msk $0xffff, v60;
	s26 =	sadd.s32 s3, s30;
	s25 =	sand.u32 $0xF, s31;
	(pc) =	sbr.rel .LBB1_5-.Ltmp4, $4  }
0x67: {  	[tilespmem:s23+$0x2850 ss:$0x81] =	vst.msk $0xffff, v61;
	s24 =	ssub.s32 s24, s28;
	s30 =	sadd.s32 s25, s26;
	s21 =	smul.u32 s21, s22  }
0x68: {  	[tilespmem:s23+$0x3060 ss:$0x81] =	vst.msk $0xffff, v62;
	s24 =	sshll.u32 s24, $0x4;
	s22 =	sadd.s32 s29, s30  }
0x69: {  	[tilespmem:s23+$0x0 ss:$0x81] =	vst.msk $0xffff, v63;
	s31 =	sand.u32 $0x7, s11;
	s22 =	sadd.s32 s24, s22;
	s21 =	sand.u32 $0x3FFFFFFF, s21  }
0x6a: {  	[hbm4b:s22+s31] =	stream.linear.scatter [tilespmem:s20], [sflag:$0x2], s21, $0x20;
	[tilespmem:$0x10100] =	vst v63  }
.LBB1_6:
0x6b: {  	_ =	sfence.sel $0x180000  }
0x6c: {  	s2 =	simm.s32 $0x1;
	[bflag:$0x0] =	sbarrier.arrive $0xFFFF  }
0x6d: {  	s31 =	simm.s32 $0x2;
	[sflag:s2] =	ssyncpa.u1 $0x1  }
0x6e: {  	[sflag:s31] =	ssyncpa.u1 $0x1  }
0x6f: {  	p0 =	sne.s32 s1, $0x0;
	_ =	strace $0x9000004A  }
0x70: {  	s0 =	sadd.s32 @!p0 $0x100000, s0;
	[bflag:$0x2] =	sbarrier.arrive $0xFFFF  }
0x71: {  	[sflag:s0] =	ssyncadd.tile.s32 @!p0 $0x1;
	_ =	shalt  }
.Lfunc_end1:
_tile_overlayer_lowered:
.L_overlay_start_2:
0x72: {  	(tag) =	ssettag $0x2  }
0x73: {  	s0 =	rddreg [dreg:$0x0];
	s2 =	stileid.u32  }
0x74: {  	s1 =	rddreg [dreg:$0x1];
	p0 =	sne.s32 s2, $0x0  }
0x75: {  	s3 =	rddreg [dreg:$0x2];
	[bflag:$0x3] =	sbarrier.arrive $0xFFFF;
	s2 =	simm.s32 @!p0 $0x1C01  }
0x76: {  	[timem:s3], [sflag:s2] =	dma.local @!p0 [hbm:s0], s1  }
0x77: {  	s0 =	simm.s32 @!p0 $0x1  }
0x78: {  	_ =	swait.ge @!p0 [sflag:s0], s1  }
0x79: {  	s1 =	ssub.s32 @!p0 $0x0, s1;
	[sflag:s0] =	ssyncset.done @!p0 $0x0  }
0x7a: {  	[sflag:s0] =	ssyncadd.s32 @!p0 s1  }
0x7b: {  	[bflag:$0x3] =	sbarrier.arrive $0xFFFF  }
0x7c: {  	_ =	shalt  }

// kernel: sparse-core-data-format-call.2.cloned.1.call-start
scs
called_computation.2_lowered:
.L_overlay_start_0:
0x0: {  	s2 =	sld [smem:$0x3FD9]  }
0x1: {  	s3 =	sld [smem:$0x3FFE];
	_ =	sdelay $0x1  }
0x2: {  	s1 =	srdreg.scid  }
0x3: {  	s0 =	sand.u32 $0x1, s1  }
0x4: {  	s15 =	sshll.u32 s0, $0xA;
	s2 =	sadd.s32 s3, s2  }
0x5: {  	s2 =	sadd.s32 s2, s15  }
0x6: {  	[smem:$0x3FB7] =	sst s2  }
0x7: {  	_ = 	snop  }
0x8: {  	s2 =	sld [smem:$0x3FD0];
	_ =	sdelay $0x2  }
0x9: {  	s16 =	simm.s32 $0xA;
	s4 =	simm.s32 $0x10  }
0xa: {  	[smem:s4], [sflag:s16] =	dma.local [hbm:s2], $0x1  }
0xb: {  	_ =	swait.eq [sflag:s16], $0x1  }
0xc: {  	[sflag:s16] =	ssyncset.done $0x0  }
0xd: {  	[sflag:s16] =	ssyncadd.s32 $0xFFFFFFFF  }
0xe: {  	s17 =	sld [smem:$0x10];
	(tm) =	ssettm $0x1  }
0xf: {  	s18 =	sld [smem:$0x3FFB];
	_ =	sdelay $0x3  }
0x10: {  	_ =	strace s18  }
0x11: {  	s3 =	sld [smem:$0x3FFC];
	_ =	sdelay $0x3  }
0x12: {  	_ =	strace s3  }
0x13: {  	s3 =	sld [smem:$0x3FFD];
	_ =	sdelay $0x3  }
0x14: {  	_ =	strace s3  }
0x15: {  	_ =	strace $0x8FFFFFFF  }
0x16: {  	s19 =	sld [smem:$0x3FDB];
	_ =	sdelay $0x1  }
0x17: {  	s20 =	simm.s32 $_scs_section_size  }
0x18: {  	s5 =	simm.s32 $_size__tile_overlayer_lowered;
	s6 =	simm.s32 $_tile_overlayer_lowered  }
0x19: {  	s23 =	simm.s32 $0x1BFF;
	s22 =	sshll.u32 s6, $0x1;
	s3 =	sadd.s32 s20, s19  }
0x1a: {  	s7 =	simm.s32 $0x0;
	s21 =	sshll.u32 s5, $0x1;
	s5 =	sadd.s32 s22, s3  }
0x1b: {  	[timem:s7], [sflag:s23] =	dma.local [hbm:s5], s21  }
0x1c: {  	_ =	swait.ge [sflag:s23], s21  }
0x1d: {  	s4 =	ssub.s32 $0x0, s21;
	[sflag:s23] =	ssyncset.done $0x0  }
0x1e: {  	[sflag:s23] =	ssyncadd.s32 s4;
	_ =	sdelay $0x1  }
0x1f: {  	s24 =	simm.s32 $0x1B8B  }
0x20: {  	_ =	swait.ge [sflag:s24], $0x1  }
0x21: {  	[sflag:s24] =	ssyncset.done $0x0  }
0x22: {  	s26 =	simm.s32 $0x1B8E;
	s25 =	sld [smem:$0x3FFE];
	[sflag:s24] =	ssyncadd.s32 $0xFFFFFFFF  }
0x23: {  	s27 =	simm.s32 $execute0_lowered;
	[smem:$0x3FD2] =	sst s26  }
0x24: {  	s5 =	sshll.u32 s27, $0x1;
	_ =	strace $0x80000046;
	[dreg:$0x1] =	wrdreg $0xFFFFFFFF  }
0x25: {  	s28 =	simm.s32 $_size_execute0_lowered;
	s3 =	sadd.s32 s3, s5;
	[dreg:$0x0] =	wrdreg $0x0  }
0x26: {  	s5 =	sshll.u32 s28, $0x1;
	[dreg:$0x2] =	wrdreg s3  }
0x27: {  	[dreg:$0x3] =	wrdreg s5  }
0x28: {  	[dreg:$0x4] =	wrdreg $0xC0  }
0x29: {  	_ =	task [dreg:s7], $0x5FFFF  }
0x2a: {  	[dreg:$0x1] =	wrdreg $0xFFFFFFFF  }
0x2b: {  	[dreg:$0x0] =	wrdreg $0x60  }
0x2c: {  	[dreg:$0x2] =	wrdreg s17  }
0x2d: {  	[dreg:$0x3] =	wrdreg s25  }
0x2e: {  	[dreg:$0x4] =	wrdreg $0x9  }
0x2f: {  	_ =	task.clear_ibuf [dreg:s7], $0x5FFFF;
	_ =	strace $0x90000046  }
0x30: {  	s29 =	simm.s32 $0x9;
	_ =	strace $0x80000048  }
0x31: {  	_ =	swait.ge [sflag:s29], $0x1  }
0x32: {  	[sflag:s29] =	ssyncadd.s32 $0xFFFFFFFF  }
0x33: {  	_ =	strace $0x90000048  }
0x34: {  	_ =	sfence  }
0x35: {  	s30 =	sld [smem:$0x0];
	_ =	sdelay $0x2  }
0x36: {  	s31 =	sshll.u32 s1, $0xD;
	s1 =	sshrl.u32 s1, $0x2  }
0x37: {  	s3 =	sand.u32 $0x4000, s31;
	s1 =	sadd.s32 s1, s30  }
0x38: {  	s0 =	sor.u32 s3, s0;
	s1 =	sshll.u32 s1, $0x11  }
0x39: {  	s0 =	sor.u32 s1, s0  }
0x3a: {  	s0 =	sadd.s32 $0x8F2B, s0  }
0x3b: {  	[sflag:s0] =	ssyncadd.remote.s32 $0x1  }
0x3c: {  	_ =	sfence.sel $0xFFFF  }
0x3d: {  	[dreg:$0x0] =	wrdreg $0xFFFFFFFF;
	(pc) =	sbr.abs _section_cstart, $3  }
0x3e: {  	[dreg:$0x1] =	wrdreg $0xFFFFFFFF  }
0x3f: {  	_ =	task.clear_ibuf [dreg:s7], $0x2FFFF;
	_ =	strace $0x9FFFFFFF  }
0x40: {  	(tm) =	ssettm $0x7FFFFFFF  }
0x41: {  	_ =	shalt  }
tec
execute0_lowered:
.L_overlay_start_1:
0x0: {  	(tag) =	ssettag $0x1  }
0x1: {  	s0 =	srdreg.scid;
	s8 =	rddreg [dreg:$0x0]  }
0x2: {  	s4 =	rddreg [dreg:$0x1];
	s31 =	simm.s32 $0x2;
	s1 =	sshll.u32 s0, $0x4  }
0x3: {  	s13 =	simm.s32 $0x0;
	s0 =	stileid.u32;
	s1 =	sand.u32 $0x10, s1  }
0x4: {  	s10 =	simm.s32 $0x4200;
	s14 =	simm.s32 $0x0;
	s7 =	sor.u32 s0, s1  }
0x5: {  	s12 =	simm.s32 $0x0;
	s3 =	sshll.u32 s0, $0x1;
	s1 =	sshll.u32 s7, $0x4  }
0x6: {  	s4 =	sadd.s32 $0x3800, s4;
	s3 =	sand.u32 $0xE, s3;
	s2 =	sand.u32 $0x180, s1  }
0x7: {  	s9 =	ssub.s32 $0x106, s3;
	s7 =	sshll.u32 s7, $0x3;
	s5 =	ssub.s32 $0x200, s2  }
0x8: {  	s11 =	smov.u32 s3;
	s1 =	rddreg [dreg:$0x2];
	s6 =	sand.u32 $0x180, s5  }
0x9: {  	s9 =	sshrl.u32 s9, $0x4;
	p0 =	sne.s32 s6, $0x0;
	s6 =	simm.s32 $0x1  }
.Ltmp0:
0xa: {  	s5 =	sshrl.u32 s5, $0x9;
	s6 =	simm.s32 @!p0 $0x0;
	(pc) =	sbr.rel .LBB1_1-.Ltmp0, $4  }
0xb: {  	_ =	strace $0x80000047;
	s9 =	sadd.s32 $0x1, s9;
	s6 =	sadd.s32 s6, s5  }
0xc: {  	s7 =	sand.u32 $0xC0, s7;
	s5 =	simm.s32 $0x1;
	s6 =	smul.u32 s9, s6  }
0xd: {  	s7 =	sadd.s32 s8, s7;
	p0 =	por $0x0, $0x0;
	[sflag:s5] =	ssyncpa.u1 $0x0  }
0xe: {  	s9 =	simm.s32 $0x80;
	[sflag:s31] =	ssyncpa.u1 $0x0;
	s8 =	sadd.s32 $0x1, s6  }
.LBB1_4:
0xf: {  	[tilespmem:s15+$0x1830 ss:$0x81] =	vst.msk $0xffff, v13;
	v7 =	vpack.i.b32.b16 v9, v7  }
0x10: {  	v50 =	vpack.i.b32.b16 v12, v10;
	[tilespmem:s15+$0x1831 ss:$0x81] =	vst.msk $0xffff, v7  }
0x11: {  	v51 =	vunpack.i.l.s16.s32 v4;
	v52 =	vunpack.i.l.s16.s32 v5;
	v53 =	vpack.i.b32.b16 v11, v8;
	s14 =	sand.u32 $0x1FFFFFE, s14;
	[tilespmem:s15+$0x2040 ss:$0x81] =	vst.msk $0xffff, v50  }
0x12: {  	v57 =	vunpack.i.l.s16.s32 v6;
	v56 =	vpack.i.b32.b16 v52, v51;
	s18 =	smulhi.u32 $0xF83E10, s14;
	[tilespmem:s15+$0x2041 ss:$0x81] =	vst.msk $0xffff, v53  }
0x13: {  	v54 =	vunpack.i.u.s16.s32 v4;
	v55 =	vunpack.i.u.s16.s32 v5;
	v1 =	vpack.i.b32.b16 v1, v57;
	[tilespmem:s15+$0x2850 ss:$0x81] =	vst.msk $0xffff, v56  }
0x14: {  	v58 =	vunpack.i.u.s16.s32 v6;
	v4 =	vpack.i.b32.b16 v55, v54;
	[tilespmem:s15+$0x0 ss:$0x81] =	vst.msk $0xffff, v1;
	s18 =	smul.u32 $0x108, s18  }
0x15: {  	v59 =	vunpack.i.l.s16.s32 v2;
	v60 =	vunpack.i.l.s16.s32 v3;
	s13 =	smul.u32 $0x840, s13;
	v0 =	vpack.i.b32.b16 v0, v58;
	[tilespmem:s15+$0x2851 ss:$0x81] =	vst.msk $0xffff, v4  }
0x16: {  	v61 =	vunpack.i.u.s16.s32 v2;
	v62 =	vunpack.i.u.s16.s32 v3;
	v1 =	vpack.i.b32.b16 v60, v59;
	[tilespmem:s17+$0x1 ss:$0x81] =	vst.msk $0xffff, v0;
	s14 =	ssub.s32 s14, s18  }
0x17: {  	v63 =	vpack.i.b32.b16 v62, v61;
	s13 =	sadd.s32 s4, s13;
	[tilespmem:s17+$0x3060 ss:$0x81] =	vst.msk $0xffff, v1;
	s14 =	sshll.u32 s14, $0x3  }
0x18: {  	[tilespmem:s17+$0x3061 ss:$0x81] =	vst.msk $0xffff, v63;
	s13 =	sadd.s32 s14, s13  }
0x19: {  	[hbm4b:s13+s9] =	stream.strided.scatter [tilespmem:s16], [sflag:$0x2], $0x4000, s10, s9, $0x20;
	[tilespmem:$0x10100] =	vst v63  }
.LBB1_5:
0x1a: {  	s15 =	sadd.s32 $0x10, s11  }
0x1b: {  	p2 =	sgt.s32 s15, $0x106  }
0x1c: {  	s15 =	smov.u32 @p2 s3;
	p2 =	sne.s32 s12, s8  }
.Ltmp1:
0x1d: {  	p1 =	slt.u32 s12, $0x2;
	(pc) =	sbr.rel @!p2 .LBB1_6-.Ltmp1, $4  }
0x1e: {  	s13 =	simm.s32 @!p1 $0x2  }
0x1f: {  	s16 =	sadd.s32 $0x1, s12;
	s14 =	smov.u32 s11;
	_ =	swait.ge @!p1 [sflag:s13], $0x4000  }
0x20: {  	p0 =	por !p0, !p0;
	s12 =	smov.u32 s16;
	[sflag:s13] =	ssyncset.done @!p1 $0x0  }
0x21: {  	s11 =	smov.u32 s15;
	[sflag:s13] =	ssyncadd.s32 @!p1 $0xFFFFC000;
	s13 =	smov.u32 s2  }
.LBB1_1:
0x22: {  	p1 =	sge.u32 s12, s6  }
0x23: {  	p2 =	sgt.s32 @!p1 s11, $0x105  }
0x24: {  	s15 =	smov.u32 s11;
	s16 =	sshra.s32 @!p1 s11, $0x1F;
	p2 =	por !p2, p1  }
0x25: {  	s16 =	sand.u32 @!p1 s16, s11;
	s15 =	simm.s32 @p2 $0x105  }
0x26: {  	s15 =	ssub.s32 @!p1 s15, s16  }
0x27: {  	s15 =	sadd.s32 @!p1 $0xFFFFFEFB, s15  }
0x28: {  	s31 =	sadd.s32 $0xFFFFFFFF, s12;
	s17 =	sxor.u32 @!p1 $0xFFFFFFFF, s12;
	s16 =	sshll.u32 @!p1 s15, $0xE  }
0x29: {  	s18 =	simm.s32 @!p1 $0x200;
	s19 =	simm.s32 @!p1 $0x800;
	s16 =	ssub.s32 @!p1 $0x8000, s16  }
0x2a: {  	s17 =	sshll.u32 @!p1 s17, $0xE;
	p2 =	sgt.s32 @!p1 s15, $0x1;
	s15 =	sshrl.u32 @!p1 s16, $0x1  }
0x2b: {  	p2 =	por !p2, p1;
	s16 =	sshll.u32 @!p1 s11, $0xC;
	s15 =	sand.u32 @!p1 $0x3FFFE000, s15  }
0x2c: {  	s17 =	sand.u32 @!p1 $0x4000, s17;
	s16 =	sadd.s32 @!p1 s16, s7;
	s15 =	simm.s32 @!p2 $0x0  }
0x2d: {  	[tilespmem:s17], [sflag:$0x1] =	stream.strided.gather @!p1 [hbm4b:s16+s18], s15, s19, s18, $0x38;
	[tilespmem:$0x10100] =	vst v63  }
0x2e: {  	p1 =	sge.u32 s31, s6  }
.Ltmp2:
0x2f: {  	_ = 	snop;
	(pc) =	sbr.rel @p1 .LBB1_5-.Ltmp2, $1  }
0x30: {  	_ =	sdelay $0x3  }
0x31: {  	p1 =	sgt.s32 s14, $0x105;
	s15 =	smov.u32 s14;
	s16 =	sshra.s32 s14, $0x1F  }
0x32: {  	s15 =	simm.s32 @!p1 $0x105;
	s16 =	sand.u32 s16, s14  }
0x33: {  	s15 =	ssub.s32 s15, s16  }
0x34: {  	s15 =	sadd.s32 $0xFFFFFEFB, s15  }
0x35: {  	s29 =	sshll.u32 s15, $0xE  }
0x36: {  	s16 =	ssub.s32 $0x8000, s29  }
0x37: {  	s16 =	sshrl.u32 s16, $0x1  }
0x38: {  	p1 =	sgt.s32 s15, $0x1;
	s15 =	sand.u32 $0x3FFFE000, s16  }
0x39: {  	s16 =	simm.s32 $0x1;
	s15 =	simm.s32 @p1 $0x0  }
0x3a: {  	s16 =	simm.s32 @!p0 $0x0;
	_ =	swait.ge [sflag:s5], s15  }
0x3b: {  	s17 =	sshll.u32 s16, $0xE;
	s15 =	ssub.s32 $0x0, s15;
	[sflag:s5] =	ssyncset.done $0x0  }
0x3c: {  	s17 =	sor.u32 $0x2000, s17;
	[sflag:s5] =	ssyncadd.s32 s15  }
0x3d: {  	v0 =	vld [tilespmem:s17+$0xFFFFE070]  }
0x3e: {  	v1 =	vld [tilespmem:s17+$0x70]  }
0x3f: {  	v2 =	vld [tilespmem:s17+$0x0]  }
0x40: {  	v3 =	vld [tilespmem:s17+$0xFFFFE010]  }
0x41: {  	v5 =	vld [tilespmem:s17+$0xFFFFE020]  }
0x42: {  	v4 =	vld [tilespmem:s17+$0x10]  }
0x43: {  	v6 =	vld [tilespmem:s17+$0x20]  }
0x44: {  	s30 =	smul.u32 $0x10200, s16;
	v9 =	vld [tilespmem:s17+$0xFFFFE030];
	v7 =	vunpack.i.l.s16.s32 v0;
	v8 =	vunpack.i.l.s16.s32 v1  }
0x45: {  	v10 =	vunpack.i.u.s16.s32 v0;
	v11 =	vunpack.i.u.s16.s32 v1;
	v0 =	vunpack.i.u.s16.s32 v2  }
0x46: {  	s15 =	sshrl.u32 s30, $0x2;
	v1 =	vunpack.i.l.s16.s32 v2;
	v2 =	vld [tilespmem:s17+$0x30];
	v13 =	vunpack.i.u.s16.s32 v5;
	v14 =	vunpack.i.l.s16.s32 v5  }
0x47: {  	s15 =	sor.u32 $0x8000, s15;
	v12 =	vld [tilespmem:s17+$0xFFFFE040];
	v7 =	vpack.i.b32.b16 v8, v7;
	v8 =	vpack.i.b32.b16 v11, v10;
	v10 =	vunpack.i.u.s16.s32 v3  }
0x48: {  	v15 =	vld [tilespmem:s17+$0x40];
	v3 =	vunpack.i.l.s16.s32 v3;
	v11 =	vunpack.i.u.s16.s32 v4;
	v4 =	vunpack.i.l.s16.s32 v4;
	[tilespmem:s15+$0x3870 ss:$0x81] =	vst.msk $0xffff, v7  }
0x49: {  	s31 =	sand.u32 $0x1, s12;
	v3 =	vpack.i.b32.b16 v4, v3;
	v4 =	vld [tilespmem:s17+$0xFFFFE050];
	v7 =	vunpack.i.u.s16.s32 v9;
	[tilespmem:s15+$0x3871 ss:$0x81] =	vst.msk $0xffff, v8;
	v8 =	vunpack.i.u.s16.s32 v6  }
0x4a: {  	s16 =	smul.u32 $0x10200, s31;
	v5 =	vld [tilespmem:s17+$0x50];
	v6 =	vunpack.i.l.s16.s32 v6;
	[tilespmem:s15+$0x810 ss:$0x81] =	vst.msk $0xffff, v3;
	v3 =	vpack.i.b32.b16 v11, v10;
	v11 =	vunpack.i.l.s16.s32 v9  }
0x4b: {  	[tilespmem:s15+$0x811 ss:$0x81] =	vst.msk $0xffff, v3;
	v3 =	vpack.i.b32.b16 v6, v14;
	v9 =	vunpack.i.u.s16.s32 v2;
	v14 =	vunpack.i.l.s16.s32 v2;
	v2 =	vld [tilespmem:s17+$0xFFFFE060]  }
0x4c: {  	s18 =	simm.s32 $0x0;
	s16 =	sshrl.u32 s16, $0x2;
	v10 =	vunpack.i.l.s16.s32 v12;
	v13 =	vpack.i.b32.b16 v8, v13;
	v8 =	vunpack.i.u.s16.s32 v12;
	[tilespmem:s15+$0x1020 ss:$0x81] =	vst.msk $0xffff, v3;
	v3 =	vld [tilespmem:s17+$0x60]  }
0x4d: {  	s19 =	sadd.s32 $0x80, s17;
	s16 =	sor.u32 $0x8000, s16;
	v6 =	vld [tilespmem:s17+$0xFFFFE000];
	v12 =	vunpack.i.l.s16.s32 v15;
	s17 =	smov.u32 s15;
	[tilespmem:s15+$0x1021 ss:$0x81] =	vst.msk $0xffff, v13;
	v13 =	vpack.i.b32.b16 v14, v11;
	v11 =	vunpack.i.u.s16.s32 v15  }
.LBB1_3:
0x4e: {  	v14 =	vld [tilespmem:s19+$0xFFFFE070];
	[tilespmem:s15+$0x1830 ss:$0x81] =	vst.msk $0xffff, v13;
	v7 =	vpack.i.b32.b16 v9, v7;
	v9 =	vunpack.i.u.s16.s32 v4;
	v4 =	vunpack.i.l.s16.s32 v4  }
0x4f: {  	v13 =	vld [tilespmem:s19+$0x70];
	[tilespmem:s15+$0x1831 ss:$0x81] =	vst.msk $0xffff, v7;
	v7 =	vpack.i.b32.b16 v12, v10;
	v10 =	vunpack.i.u.s16.s32 v5;
	v5 =	vunpack.i.l.s16.s32 v5  }
0x50: {  	s18 =	sadd.s32 $0x2, s18;
	v12 =	vld [tilespmem:s19+$0x0];
	[tilespmem:s15+$0x2040 ss:$0x81] =	vst.msk $0xffff, v7;
	v7 =	vpack.i.b32.b16 v11, v8;
	v8 =	vunpack.i.u.s16.s32 v2;
	v2 =	vunpack.i.l.s16.s32 v2  }
0x51: {  	p1 =	slt.u32 s18, $0x7E;
	v4 =	vpack.i.b32.b16 v5, v4;
	v5 =	vunpack.i.u.s16.s32 v3;
	v3 =	vunpack.i.l.s16.s32 v3;
	v11 =	vld [tilespmem:s19+$0xFFFFE010];
	[tilespmem:s15+$0x2041 ss:$0x81] =	vst.msk $0xffff, v7  }
0x52: {  	v15 =	vunpack.i.u.s16.s32 v6;
	v6 =	vunpack.i.l.s16.s32 v6;
	v7 =	vld [tilespmem:s19+$0x10];
	[tilespmem:s15+$0x2850 ss:$0x81] =	vst.msk $0xffff, v4;
	v4 =	vpack.i.b32.b16 v10, v9  }
0x53: {  	v1 =	vpack.i.b32.b16 v1, v6;
	v0 =	vpack.i.b32.b16 v0, v15;
	v2 =	vpack.i.b32.b16 v3, v2;
	v9 =	vld [tilespmem:s19+$0xFFFFE020];
	[tilespmem:s15+$0x2851 ss:$0x81] =	vst.msk $0xffff, v4  }
0x54: {  	v5 =	vpack.i.b32.b16 v5, v8;
	v4 =	vunpack.i.l.s16.s32 v14;
	v3 =	vld [tilespmem:s19+$0x20];
	v6 =	vunpack.i.l.s16.s32 v13;
	[tilespmem:s15+$0x0 ss:$0x81] =	vst.msk $0xffff, v1  }
0x55: {  	v10 =	vunpack.i.u.s16.s32 v14;
	v13 =	vunpack.i.u.s16.s32 v13;
	s15 =	sadd.s32 $0x2, s15;
	v8 =	vld [tilespmem:s19+$0xFFFFE030];
	v4 =	vpack.i.b32.b16 v6, v4;
	[tilespmem:s17+$0x1 ss:$0x81] =	vst.msk $0xffff, v0  }
0x56: {  	v0 =	vunpack.i.u.s16.s32 v12;
	v1 =	vunpack.i.l.s16.s32 v12;
	v6 =	vld [tilespmem:s19+$0x30];
	[tilespmem:s15+$0x3870 ss:$0x81] =	vst.msk $0xffff, v4;
	v4 =	vpack.i.b32.b16 v13, v10  }
0x57: {  	v10 =	vunpack.i.u.s16.s32 v11;
	v11 =	vunpack.i.l.s16.s32 v11;
	v12 =	vunpack.i.u.s16.s32 v7;
	v13 =	vld [tilespmem:s19+$0xFFFFE040];
	[tilespmem:s15+$0x3871 ss:$0x81] =	vst.msk $0xffff, v4  }
0x58: {  	v4 =	vunpack.i.l.s16.s32 v7;
	v14 =	vunpack.i.u.s16.s32 v9;
	v9 =	vunpack.i.l.s16.s32 v9;
	v15 =	vld [tilespmem:s19+$0x40];
	[tilespmem:s17+$0x3060 ss:$0x81] =	vst.msk $0xffff, v2  }
.Ltmp3:
0x59: {  	v2 =	vpack.i.b32.b16 v4, v11;
	v11 =	vunpack.i.u.s16.s32 v3;
	v3 =	vunpack.i.l.s16.s32 v3;
	v4 =	vld [tilespmem:s19+$0xFFFFE050];
	[tilespmem:s17+$0x3061 ss:$0x81] =	vst.msk $0xffff, v5;
	s17 =	smov.u32 s15;
	(pc) =	sbr.rel @p1 .LBB1_3-.Ltmp3, $4  }
0x5a: {  	[tilespmem:s15+$0x810 ss:$0x81] =	vst.msk $0xffff, v2;
	v2 =	vpack.i.b32.b16 v12, v10;
	v7 =	vunpack.i.u.s16.s32 v8;
	v12 =	vunpack.i.l.s16.s32 v8;
	v5 =	vld [tilespmem:s19+$0x50]  }
0x5b: {  	v3 =	vpack.i.b32.b16 v3, v9;
	[tilespmem:s15+$0x811 ss:$0x81] =	vst.msk $0xffff, v2;
	v9 =	vunpack.i.u.s16.s32 v6;
	v16 =	vunpack.i.l.s16.s32 v6;
	v2 =	vld [tilespmem:s19+$0xFFFFE060]  }
0x5c: {  	v11 =	vpack.i.b32.b16 v11, v14;
	[tilespmem:s15+$0x1020 ss:$0x81] =	vst.msk $0xffff, v3;
	v8 =	vunpack.i.u.s16.s32 v13;
	v10 =	vunpack.i.l.s16.s32 v13;
	v3 =	vld [tilespmem:s19+$0x60]  }
0x5d: {  	v13 =	vpack.i.b32.b16 v16, v12;
	v6 =	vld [tilespmem:s19+$0xFFFFE000];
	[tilespmem:s15+$0x1021 ss:$0x81] =	vst.msk $0xffff, v11;
	v11 =	vunpack.i.u.s16.s32 v15;
	v12 =	vunpack.i.l.s16.s32 v15;
	s19 =	sadd.s32 $0x80, s19  }
.Ltmp4:
0x5e: {  	_ = 	snop;
	(pc) =	sbr.rel .LBB1_4-.Ltmp4, $1  }
0x5f: {  	_ =	sdelay $0x3  }
.LBB1_6:
0x60: {  	_ =	sfence.sel $0x180000  }
0x61: {  	s2 =	simm.s32 $0x1;
	[bflag:$0x0] =	sbarrier.arrive $0xFFFF  }
0x62: {  	s31 =	simm.s32 $0x2;
	[sflag:s2] =	ssyncpa.u1 $0x1  }
0x63: {  	[sflag:s31] =	ssyncpa.u1 $0x1  }
0x64: {  	p0 =	sne.s32 s0, $0x0;
	_ =	strace $0x90000047  }
0x65: {  	s0 =	sadd.s32 @!p0 $0x100000, s1;
	[bflag:$0x2] =	sbarrier.arrive $0xFFFF  }
0x66: {  	[sflag:s0] =	ssyncadd.tile.s32 @!p0 $0x1;
	_ =	shalt  }
.Lfunc_end1:
_tile_overlayer_lowered:
.L_overlay_start_2:
0x67: {  	(tag) =	ssettag $0x2  }
0x68: {  	s0 =	rddreg [dreg:$0x0];
	s2 =	stileid.u32  }
0x69: {  	s1 =	rddreg [dreg:$0x1];
	p0 =	sne.s32 s2, $0x0  }
0x6a: {  	s3 =	rddreg [dreg:$0x2];
	[bflag:$0x3] =	sbarrier.arrive $0xFFFF;
	s2 =	simm.s32 @!p0 $0x1C01  }
0x6b: {  	[timem:s3], [sflag:s2] =	dma.local @!p0 [hbm:s0], s1  }
0x6c: {  	s0 =	simm.s32 @!p0 $0x1  }
0x6d: {  	_ =	swait.ge @!p0 [sflag:s0], s1  }
0x6e: {  	s1 =	ssub.s32 @!p0 $0x0, s1;
	[sflag:s0] =	ssyncset.done @!p0 $0x0  }
0x6f: {  	[sflag:s0] =	ssyncadd.s32 @!p0 s1  }
0x70: {  	[bflag:$0x3] =	sbarrier.arrive $0xFFFF  }
0x71: {  	_ =	shalt  }

// kernel: sparse-core-data-format-call.cloned.1.call-start
scs
called_computation_lowered:
.L_overlay_start_0:
0x0: {  	s2 =	sld [smem:$0x3FD9]  }
0x1: {  	s3 =	sld [smem:$0x3FFE];
	_ =	sdelay $0x1  }
0x2: {  	s1 =	srdreg.scid  }
0x3: {  	s0 =	sand.u32 $0x1, s1  }
0x4: {  	s15 =	sshll.u32 s0, $0xA;
	s2 =	sadd.s32 s3, s2  }
0x5: {  	s2 =	sadd.s32 s2, s15  }
0x6: {  	[smem:$0x3FB7] =	sst s2  }
0x7: {  	_ = 	snop  }
0x8: {  	s2 =	sld [smem:$0x3FD0];
	_ =	sdelay $0x2  }
0x9: {  	s16 =	simm.s32 $0xA;
	s4 =	simm.s32 $0x10  }
0xa: {  	[smem:s4], [sflag:s16] =	dma.local [hbm:s2], $0x1  }
0xb: {  	_ =	swait.eq [sflag:s16], $0x1  }
0xc: {  	[sflag:s16] =	ssyncset.done $0x0  }
0xd: {  	[sflag:s16] =	ssyncadd.s32 $0xFFFFFFFF  }
0xe: {  	s17 =	sld [smem:$0x10];
	(tm) =	ssettm $0x1  }
0xf: {  	s18 =	sld [smem:$0x3FFB];
	_ =	sdelay $0x3  }
0x10: {  	_ =	strace s18  }
0x11: {  	s3 =	sld [smem:$0x3FFC];
	_ =	sdelay $0x3  }
0x12: {  	_ =	strace s3  }
0x13: {  	s3 =	sld [smem:$0x3FFD];
	_ =	sdelay $0x3  }
0x14: {  	_ =	strace s3  }
0x15: {  	_ =	strace $0x8FFFFFFF  }
0x16: {  	s19 =	sld [smem:$0x3FDB];
	_ =	sdelay $0x1  }
0x17: {  	s20 =	simm.s32 $_scs_section_size  }
0x18: {  	s5 =	simm.s32 $_size__tile_overlayer_lowered;
	s6 =	simm.s32 $_tile_overlayer_lowered  }
0x19: {  	s23 =	simm.s32 $0x1BFF;
	s22 =	sshll.u32 s6, $0x1;
	s3 =	sadd.s32 s20, s19  }
0x1a: {  	s7 =	simm.s32 $0x0;
	s21 =	sshll.u32 s5, $0x1;
	s5 =	sadd.s32 s22, s3  }
0x1b: {  	[timem:s7], [sflag:s23] =	dma.local [hbm:s5], s21  }
0x1c: {  	_ =	swait.ge [sflag:s23], s21  }
0x1d: {  	s4 =	ssub.s32 $0x0, s21;
	[sflag:s23] =	ssyncset.done $0x0  }
0x1e: {  	[sflag:s23] =	ssyncadd.s32 s4;
	_ =	sdelay $0x1  }
0x1f: {  	s24 =	simm.s32 $0x1B8B  }
0x20: {  	_ =	swait.ge [sflag:s24], $0x1  }
0x21: {  	[sflag:s24] =	ssyncset.done $0x0  }
0x22: {  	s26 =	simm.s32 $0x1B8E;
	s25 =	sld [smem:$0x3FFE];
	[sflag:s24] =	ssyncadd.s32 $0xFFFFFFFF  }
0x23: {  	s27 =	simm.s32 $execute0_lowered;
	[smem:$0x3FD2] =	sst s26  }
0x24: {  	s5 =	sshll.u32 s27, $0x1;
	_ =	strace $0x8000004C;
	[dreg:$0x1] =	wrdreg $0xFFFFFFFF  }
0x25: {  	s28 =	simm.s32 $_size_execute0_lowered;
	s3 =	sadd.s32 s3, s5;
	[dreg:$0x0] =	wrdreg $0x0  }
0x26: {  	s5 =	sshll.u32 s28, $0x1;
	[dreg:$0x2] =	wrdreg s3  }
0x27: {  	[dreg:$0x3] =	wrdreg s5  }
0x28: {  	[dreg:$0x4] =	wrdreg $0xC0  }
0x29: {  	_ =	task [dreg:s7], $0x5FFFF  }
0x2a: {  	[dreg:$0x1] =	wrdreg $0xFFFFFFFF  }
0x2b: {  	[dreg:$0x0] =	wrdreg $0x60  }
0x2c: {  	[dreg:$0x2] =	wrdreg s25  }
0x2d: {  	[dreg:$0x3] =	wrdreg s17  }
0x2e: {  	[dreg:$0x4] =	wrdreg $0x9  }
0x2f: {  	_ =	task.clear_ibuf [dreg:s7], $0x5FFFF;
	_ =	strace $0x9000004C  }
0x30: {  	s29 =	simm.s32 $0x9;
	_ =	strace $0x8000004E  }
0x31: {  	_ =	swait.ge [sflag:s29], $0x1  }
0x32: {  	[sflag:s29] =	ssyncadd.s32 $0xFFFFFFFF  }
0x33: {  	_ =	strace $0x9000004E  }
0x34: {  	_ =	sfence  }
0x35: {  	s30 =	sld [smem:$0x0];
	_ =	sdelay $0x2  }
0x36: {  	s31 =	sshll.u32 s1, $0xD;
	s1 =	sshrl.u32 s1, $0x2  }
0x37: {  	s3 =	sand.u32 $0x4000, s31;
	s1 =	sadd.s32 s1, s30  }
0x38: {  	s0 =	sor.u32 s3, s0;
	s1 =	sshll.u32 s1, $0x11  }
0x39: {  	s0 =	sor.u32 s1, s0  }
0x3a: {  	s0 =	sadd.s32 $0x8F2B, s0  }
0x3b: {  	[sflag:s0] =	ssyncadd.remote.s32 $0x1  }
0x3c: {  	_ =	sfence.sel $0xFFFF  }
0x3d: {  	[dreg:$0x0] =	wrdreg $0xFFFFFFFF;
	(pc) =	sbr.abs _section_cstart, $3  }
0x3e: {  	[dreg:$0x1] =	wrdreg $0xFFFFFFFF  }
0x3f: {  	_ =	task.clear_ibuf [dreg:s7], $0x2FFFF;
	_ =	strace $0x9FFFFFFF  }
0x40: {  	(tm) =	ssettm $0x7FFFFFFF  }
0x41: {  	_ =	shalt  }
tec
execute0_lowered:
.L_overlay_start_1:
0x0: {  	(tag) =	ssettag $0x1  }
0x1: {  	s0 =	stileid.u32;
	s7 =	rddreg [dreg:$0x0]  }
0x2: {  	s1 =	srdreg.scid;
	s2 =	rddreg [dreg:$0x1]  }
0x3: {  	s9 =	simm.s32 $0x20;
	s31 =	simm.s32 $0x2;
	s13 =	simm.s32 $0x0  }
0x4: {  	s14 =	simm.s32 $0x0;
	s1 =	sshll.u32 s1, $0x4;
	s3 =	sshll.u32 s0, $0x7  }
0x5: {  	s12 =	simm.s32 $0x0;
	s4 =	sand.u32 $0x10, s1;
	s3 =	sand.u32 $0x180, s3  }
0x6: {  	s1 =	rddreg [dreg:$0x2];
	s4 =	sor.u32 s0, s4;
	s5 =	ssub.s32 $0x200, s3  }
0x7: {  	_ =	strace $0x8000004D;
	s4 =	sshrl.u32 s4, $0x2;
	s6 =	sand.u32 $0x180, s5  }
0x8: {  	s8 =	sshrl.u32 s5, $0x9;
	p0 =	sne.s32 s6, $0x0;
	s6 =	simm.s32 $0x1  }
.Ltmp0:
0x9: {  	s6 =	simm.s32 @!p0 $0x0;
	p0 =	seq.s32 s4, $0x7;
	(pc) =	sbr.rel .LBB1_1-.Ltmp0, $4  }
0xa: {  	s5 =	simm.s32 $0x1;
	s6 =	sadd.s32 s6, s8;
	s9 =	simm.s32 @!p0 $0x21  }
0xb: {  	s7 =	sadd.s32 $0x5A00, s7;
	[sflag:s5] =	ssyncpa.u1 $0x0;
	s6 =	smul.u32 s9, s6  }
0xc: {  	s11 =	smov.u32 s3;
	s10 =	smov.u32 s4;
	[sflag:s31] =	ssyncpa.u1 $0x0  }
0xd: {  	p0 =	por $0x0, $0x0;
	s9 =	simm.s32 $0x1000;
	s8 =	sadd.s32 $0x1, s6  }
.LBB1_4:
0xe: {  	v5 =	vld [tilespmem:s18+$0xFFFFFFD0];
	[tilespmem:s17+$0x2040 ss:$0x81] =	vst.msk $0xffff, v1  }
0xf: {  	v58 =	vld [tilespmem:s18+$0xFFFFFFE0];
	[tilespmem:s17+$0x2850 ss:$0x81] =	vst.msk $0xffff, v2  }
0x10: {  	s19 =	sshra.s32 s19, $0x2;
	v59 =	vld [tilespmem:s18+$0xFFFFFFF0];
	[tilespmem:s17+$0x3060 ss:$0x81] =	vst.msk $0xffff, v3  }
0x11: {  	v60 =	vld [tilespmem:s18+$0x0];
	[tilespmem:s17+$0x0 ss:$0x81] =	vst.msk $0xffff, v0;
	s16 =	sadd.s32 s19, s16  }
0x12: {  	v61 =	vld [tilespmem:s18+$0x10];
	[tilespmem:s16+$0x3870 ss:$0x81] =	vst.msk $0xffff, v4  }
0x13: {  	v62 =	vld [tilespmem:s18+$0x20];
	[tilespmem:s16+$0x810 ss:$0x81] =	vst.msk $0xffff, v5  }
0x14: {  	v63 =	vld [tilespmem:s18+$0xFFFFFFC0];
	[tilespmem:s16+$0x1020 ss:$0x81] =	vst.msk $0xffff, v58  }
0x15: {  	[tilespmem:s16+$0x1830 ss:$0x81] =	vst.msk $0xffff, v59  }
0x16: {  	s29 =	sand.u32 $0x1F80, s14;
	s13 =	sshll.u32 s13, $0xD;
	[tilespmem:s16+$0x2040 ss:$0x81] =	vst.msk $0xffff, v60  }
0x17: {  	s30 =	sshrl.u32 s14, $0x3;
	s31 =	sand.u32 $0x7, s14;
	s17 =	sadd.s32 s2, s29;
	[tilespmem:s16+$0x2850 ss:$0x81] =	vst.msk $0xffff, v61  }
0x18: {  	s18 =	sand.u32 $0xF, s30;
	s14 =	sshll.u32 s31, $0x12;
	s13 =	sadd.s32 s13, s17;
	[tilespmem:s16+$0x3060 ss:$0x81] =	vst.msk $0xffff, v62  }
0x19: {  	s14 =	sor.u32 $0x400, s14;
	s13 =	sadd.s32 s18, s13;
	[tilespmem:s16+$0x0 ss:$0x81] =	vst.msk $0xffff, v63  }
0x1a: {  	[hbm4b:s13+s14] =	stream.strided.scatter [tilespmem:s15], [sflag:$0x2], $0x4000, s9, s14, $0x20;
	[tilespmem:$0x10100] =	vst v63  }
.LBB1_5:
0x1b: {  	s15 =	sadd.s32 $0x8, s10  }
0x1c: {  	s13 =	sadd.s32 $0x200, s11;
	s17 =	smov.u32 s11;
	p2 =	sgt.s32 s15, $0x106  }
0x1d: {  	s17 =	smov.u32 @p2 s13  }
0x1e: {  	s15 =	smov.u32 @p2 s4;
	p2 =	sgt.s32 s17, $0x1FF  }
0x1f: {  	s17 =	smov.u32 @p2 s3;
	p2 =	sne.s32 s12, s8  }
.Ltmp1:
0x20: {  	p1 =	slt.u32 s12, $0x2;
	(pc) =	sbr.rel @!p2 .LBB1_6-.Ltmp1, $4  }
0x21: {  	s16 =	simm.s32 @!p1 $0x2  }
0x22: {  	s14 =	smov.u32 s11;
	p0 =	por !p0, !p0;
	_ =	swait.ge @!p1 [sflag:s16], $0x4000  }
0x23: {  	s13 =	smov.u32 s10;
	[sflag:s16] =	ssyncset.done @!p1 $0x0;
	s10 =	smov.u32 s15  }
0x24: {  	s12 =	sadd.s32 $0x1, s12;
	[sflag:s16] =	ssyncadd.s32 @!p1 $0xFFFFC000;
	s11 =	smov.u32 s17  }
.LBB1_1:
0x25: {  	p1 =	sge.u32 s12, s6  }
0x26: {  	s15 =	sand.u32 @!p1 $0x1FFFFFF, s10  }
0x27: {  	s16 =	smulhi.u32 @!p1 $0xF83E10, s15;
	_ =	sdelay $0x1  }
0x28: {  	s16 =	smul.u32 @!p1 $0x108, s16  }
0x29: {  	s17 =	sxor.u32 @!p1 $0xFFFFFFFF, s12;
	s18 =	smul.u32 @!p1 $0x1080, s11  }
0x2a: {  	s31 =	sadd.s32 $0xFFFFFFFF, s12;
	s17 =	sshll.u32 @!p1 s17, $0xE;
	s15 =	ssub.s32 @!p1 s15, s16  }
0x2b: {  	s16 =	sand.u32 @!p1 $0x4000, s17;
	s17 =	sadd.s32 @!p1 s7, s18;
	s15 =	sshll.u32 @!p1 s15, $0x4  }
0x2c: {  	s18 =	simm.s32 @!p1 $0x8400;
	s15 =	sadd.s32 @!p1 s15, s17;
	s17 =	simm.s32 @!p1 $0x80  }
0x2d: {  	[tilespmem:s16], [sflag:$0x1] =	stream.strided.gather @!p1 [hbm4b:s15+s17], $0x4000, s18, s17, $0x38;
	[tilespmem:$0x10100] =	vst v63  }
0x2e: {  	p1 =	sge.u32 s31, s6  }
.Ltmp2:
0x2f: {  	_ = 	snop;
	(pc) =	sbr.rel @p1 .LBB1_5-.Ltmp2, $1  }
0x30: {  	_ =	sdelay $0x3  }
0x31: {  	s15 =	simm.s32 $0x1  }
0x32: {  	_ =	swait.ge [sflag:s5], $0x4000;
	s15 =	simm.s32 @!p0 $0x0  }
0x33: {  	[sflag:s5] =	ssyncset.done $0x0;
	s16 =	sshll.u32 s15, $0xE  }
0x34: {  	[sflag:s5] =	ssyncadd.s32 $0xFFFFC000;
	s18 =	sor.u32 $0x40, s16  }
0x35: {  	s15 =	smul.u32 $0x10200, s15;
	v0 =	vld [tilespmem:s18+$0x30]  }
0x36: {  	v3 =	vld [tilespmem:s18+$0xFFFFFFD0]  }
0x37: {  	s15 =	sshrl.u32 s15, $0x2;
	v4 =	vld [tilespmem:s18+$0xFFFFFFE0]  }
0x38: {  	v5 =	vld [tilespmem:s18+$0xFFFFFFF0];
	s16 =	sor.u32 $0x8000, s15  }
0x39: {  	s31 =	sand.u32 $0x1, s12;
	v1 =	vld [tilespmem:s18+$0x0];
	s17 =	sadd.s32 $0x0, s16  }
0x3a: {  	v2 =	vld [tilespmem:s18+$0x10];
	s15 =	smul.u32 $0x10200, s31;
	[tilespmem:s17+$0x3870 ss:$0x81] =	vst.msk $0xffff, v0  }
0x3b: {  	[tilespmem:s17+$0x810 ss:$0x81] =	vst.msk $0xffff, v3;
	v3 =	vld [tilespmem:s18+$0x20]  }
0x3c: {  	s15 =	sshrl.u32 s15, $0x2;
	v0 =	vld [tilespmem:s18+$0xFFFFFFC0];
	[tilespmem:s17+$0x1020 ss:$0x81] =	vst.msk $0xffff, v4;
	s18 =	sadd.s32 $0x80, s18  }
0x3d: {  	s19 =	simm.s32 $0x4;
	s20 =	simm.s32 $0x8;
	s15 =	sor.u32 $0x8000, s15;
	[tilespmem:s17+$0x1830 ss:$0x81] =	vst.msk $0xffff, v5;
	v4 =	vld [tilespmem:s18+$0x30]  }
.LBB1_3:
0x3e: {  	p1 =	sne.s32 s20, $0x1FC;
	v5 =	vld [tilespmem:s18+$0xFFFFFFD0];
	[tilespmem:s17+$0x2040 ss:$0x81] =	vst.msk $0xffff, v1  }
0x3f: {  	v6 =	vld [tilespmem:s18+$0xFFFFFFE0];
	[tilespmem:s17+$0x2850 ss:$0x81] =	vst.msk $0xffff, v2  }
0x40: {  	s21 =	sshra.s32 s19, $0x2;
	s19 =	smov.u32 s20;
	v7 =	vld [tilespmem:s18+$0xFFFFFFF0];
	[tilespmem:s17+$0x3060 ss:$0x81] =	vst.msk $0xffff, v3  }
.Ltmp3:
0x41: {  	v1 =	vld [tilespmem:s18+$0x0];
	[tilespmem:s17+$0x0 ss:$0x81] =	vst.msk $0xffff, v0;
	s17 =	sadd.s32 s21, s16;
	(pc) =	sbr.rel @p1 .LBB1_3-.Ltmp3, $4  }
0x42: {  	v2 =	vld [tilespmem:s18+$0x10];
	[tilespmem:s17+$0x3870 ss:$0x81] =	vst.msk $0xffff, v4  }
0x43: {  	[tilespmem:s17+$0x810 ss:$0x81] =	vst.msk $0xffff, v5;
	v3 =	vld [tilespmem:s18+$0x20]  }
0x44: {  	v0 =	vld [tilespmem:s18+$0xFFFFFFC0];
	[tilespmem:s17+$0x1020 ss:$0x81] =	vst.msk $0xffff, v6;
	s18 =	sadd.s32 $0x80, s18  }
0x45: {  	s20 =	sadd.s32 $0x4, s20;
	v4 =	vld [tilespmem:s18+$0x30];
	[tilespmem:s17+$0x1830 ss:$0x81] =	vst.msk $0xffff, v7  }
.Ltmp4:
0x46: {  	_ = 	snop;
	(pc) =	sbr.rel .LBB1_4-.Ltmp4, $1  }
0x47: {  	_ =	sdelay $0x3  }
.LBB1_6:
0x48: {  	_ =	sfence.sel $0x180000  }
0x49: {  	s2 =	simm.s32 $0x1;
	[bflag:$0x0] =	sbarrier.arrive $0xFFFF  }
0x4a: {  	s31 =	simm.s32 $0x2;
	[sflag:s2] =	ssyncpa.u1 $0x1  }
0x4b: {  	[sflag:s31] =	ssyncpa.u1 $0x1  }
0x4c: {  	p0 =	sne.s32 s0, $0x0;
	_ =	strace $0x9000004D  }
0x4d: {  	s0 =	sadd.s32 @!p0 $0x100000, s1;
	[bflag:$0x2] =	sbarrier.arrive $0xFFFF  }
0x4e: {  	[sflag:s0] =	ssyncadd.tile.s32 @!p0 $0x1;
	_ =	shalt  }
.Lfunc_end1:
_tile_overlayer_lowered:
.L_overlay_start_2:
0x4f: {  	(tag) =	ssettag $0x2  }
0x50: {  	s0 =	rddreg [dreg:$0x0];
	s2 =	stileid.u32  }
0x51: {  	s1 =	rddreg [dreg:$0x1];
	p0 =	sne.s32 s2, $0x0  }
0x52: {  	s3 =	rddreg [dreg:$0x2];
	[bflag:$0x3] =	sbarrier.arrive $0xFFFF;
	s2 =	simm.s32 @!p0 $0x1C01  }
0x53: {  	[timem:s3], [sflag:s2] =	dma.local @!p0 [hbm:s0], s1  }
0x54: {  	s0 =	simm.s32 @!p0 $0x1  }
0x55: {  	_ =	swait.ge @!p0 [sflag:s0], s1  }
0x56: {  	s1 =	ssub.s32 @!p0 $0x0, s1;
	[sflag:s0] =	ssyncset.done @!p0 $0x0  }
0x57: {  	[sflag:s0] =	ssyncadd.s32 @!p0 s1  }
0x58: {  	[bflag:$0x3] =	sbarrier.arrive $0xFFFF  }
0x59: {  	_ =	shalt  }

</sc_bundles>
